<compile_context>
chip_gen: v7x
topology: tpu7x:2x2x1
jax: 0.10.2.dev20260603
libtpu: 0.0.44.dev20260713+nightly
codegen_flags: <defaults>
</compile_context>

<pallas_src>
import jax
import jax.numpy as jnp
from jax.experimental import pallas as pl
from jax.experimental.pallas import tpu as pltpu

_P = 20000
_N = 32
_NX, _NY, _NZ = 216, 248, 1
_B = 4
_C = 64
_PX, _PY, _PZ = 0.32, 0.32, 4.0
_XOFF = _PX / 2 + 0.0
_YOFF = _PY / 2 + (-39.68)
_ZOFF = _PZ / 2 + (-3.0)

_TP = 400
_NT = _P // _TP
_NCELLS = _NZ * _NY * _NX
_TOT = _B * _NCELLS
_NBLK = 8
_CB = _TOT // _NBLK


def _augment(pillars, coords_f, npts):
    xyz = pillars[:, :, :3]
    xyz_mean = jnp.sum(xyz, axis=1, keepdims=True) / npts[:, :, None]
    cluster = xyz - xyz_mean
    cx = xyz[:, :, 0] - (coords_f[:, 3][:, None] * _PX + _XOFF)
    cy = xyz[:, :, 1] - (coords_f[:, 2][:, None] * _PY + _YOFF)
    cz = xyz[:, :, 2] - (coords_f[:, 1][:, None] * _PZ + _ZOFF)
    center = jnp.stack([cx, cy, cz], axis=-1)
    return jnp.concatenate([pillars, cluster, center], axis=-1)


def _stats_kernel(pillars_ref, coords_ref, npts_ref, wt_ref, out_ref):
    feat = _augment(pillars_ref[...], coords_ref[...], npts_ref[...])
    h = jnp.dot(feat.reshape(_TP * _N, 10), wt_ref[...],
                preferred_element_type=jnp.float32)
    part = jnp.stack([jnp.sum(h, axis=0), jnp.sum(h * h, axis=0)])

    @pl.when(pl.program_id(0) == 0)
    def _init():
        out_ref[...] = part

    @pl.when(pl.program_id(0) != 0)
    def _acc():
        out_ref[...] += part


def _pv_kernel(pillars_ref, coords_ref, npts_ref, wts_ref, shift_ref, out_ref):
    feat = _augment(pillars_ref[...], coords_ref[...], npts_ref[...])
    h = jnp.dot(feat.reshape(_TP * _N, 10), wts_ref[...],
                preferred_element_type=jnp.float32) + shift_ref[...]
    h = jnp.maximum(h, 0.0)
    out_ref[...] = jnp.max(h.reshape(_TP, _N, _C), axis=1)


def _scatter_kernel(sflat_ref, order_ref, starts_ref, pv_ref, out_ref):
    blk = pl.program_id(0)
    base = blk * _CB
    out_ref[...] = jnp.zeros((_CB, _C), jnp.float32)

    def body(i, carry):
        local = sflat_ref[i] - base
        p = order_ref[i]
        out_ref[pl.ds(local, 1), :] = pv_ref[pl.ds(p, 1), :]
        return carry

    jax.lax.fori_loop(starts_ref[blk], starts_ref[blk + 1], body, 0)


@jax.jit
def kernel(pillars, coords, num_points, W, gamma, beta):
    pillars = pillars.astype(jnp.float32)
    coords = coords.astype(jnp.int32)
    coords_f = coords.astype(jnp.float32)
    npts = jnp.maximum(num_points, 1).astype(jnp.float32).reshape(_P, 1)
    wt = W.astype(jnp.float32).T

    tile_specs = [
        pl.BlockSpec((_TP, _N, 4), lambda i: (i, 0, 0)),
        pl.BlockSpec((_TP, 4), lambda i: (i, 0)),
        pl.BlockSpec((_TP, 1), lambda i: (i, 0)),
    ]

    sums = pl.pallas_call(
        _stats_kernel,
        grid=(_NT,),
        in_specs=tile_specs + [pl.BlockSpec((10, _C), lambda i: (0, 0))],
        out_specs=pl.BlockSpec((2, _C), lambda i: (0, 0)),
        out_shape=jax.ShapeDtypeStruct((2, _C), jnp.float32),
    )(pillars, coords_f, npts, wt)

    n = float(_P * _N)
    mean = sums[0] / n
    var = sums[1] / n - mean * mean
    scale = gamma.astype(jnp.float32) / jnp.sqrt(var + 1e-3)
    wts = wt * scale[None, :]
    shift = (beta.astype(jnp.float32) - mean * scale).reshape(1, _C)

    pv = pl.pallas_call(
        _pv_kernel,
        grid=(_NT,),
        in_specs=tile_specs + [
            pl.BlockSpec((10, _C), lambda i: (0, 0)),
            pl.BlockSpec((1, _C), lambda i: (0, 0)),
        ],
        out_specs=pl.BlockSpec((_TP, _C), lambda i: (i, 0)),
        out_shape=jax.ShapeDtypeStruct((_P, _C), jnp.float32),
    )(pillars, coords_f, npts, wts, shift)

    flat = coords[:, 0] * _NCELLS + coords[:, 1] + coords[:, 2] * _NX + coords[:, 3]
    order = jnp.argsort(flat, stable=True).astype(jnp.int32)
    sflat = flat[order]
    starts = jnp.searchsorted(
        sflat, jnp.arange(_NBLK + 1, dtype=jnp.int32) * _CB
    ).astype(jnp.int32)

    canvas = pl.pallas_call(
        _scatter_kernel,
        grid_spec=pltpu.PrefetchScalarGridSpec(
            num_scalar_prefetch=3,
            grid=(_NBLK,),
            in_specs=[pl.BlockSpec((_P, _C), lambda i, *_: (0, 0))],
            out_specs=pl.BlockSpec((_CB, _C), lambda i, *_: (i, 0)),
        ),
        out_shape=jax.ShapeDtypeStruct((_TOT, _C), jnp.float32),
    )(sflat, order, starts, pv)

    fm = canvas.reshape(_B, _NCELLS, _C).transpose(0, 2, 1)
    return fm.reshape(_B, _C * _NZ, _NY, _NX)

# --- scband reference (transcript-rebuilt; emitter-appended) ---
"""Pipeline reference for scband-pfe-28037546508649 (READ-ONLY COPY).

The authoritative reference and input builder live on the scoring server;
editing this copy changes nothing except your own understanding.
"""

import jax, jax.numpy as jnp
import numpy as np

P = 20000
NP_PTS = 32
NX, NY, NZ = 216, 248, 1
B = 4
C_OUT = 64
PX, PY, PZ = 0.32, 0.32, 4.0
XOFF = PX / 2 + 0.0
YOFF = PY / 2 + (-39.68)
ZOFF = PZ / 2 + (-3.0)


def setup_inputs(seed: int = 0):
    key = jax.random.key(seed)
    ks = jax.random.split(key, 10)
    x = jax.random.uniform(ks[0], (P, NP_PTS)) * 69.12
    y = jax.random.uniform(ks[1], (P, NP_PTS)) * 79.36 - 39.68
    z = jax.random.uniform(ks[2], (P, NP_PTS)) * 4.0 - 3.0
    inten = jax.random.uniform(ks[3], (P, NP_PTS))
    pillars = jnp.stack([x, y, z, inten], axis=-1)
    num_points = jax.random.randint(ks[4], (P,), 1, NP_PTS + 1)
    mask = (jnp.arange(NP_PTS)[None, :] < num_points[:, None]).astype(jnp.float32)
    pillars = pillars * mask[:, :, None]
    bidx = jax.random.randint(ks[5], (P,), 0, B)
    zi = jnp.zeros((P,), dtype=jnp.int32)
    yi = jax.random.randint(ks[6], (P,), 0, NY)
    xi = jax.random.randint(ks[7], (P,), 0, NX)
    coords = jnp.stack([bidx.astype(jnp.int32), zi, yi.astype(jnp.int32), xi.astype(jnp.int32)], axis=1)
    W = jax.random.normal(ks[8], (C_OUT, 10)) * 0.1
    gamma = jnp.ones((C_OUT,), dtype=jnp.float32)
    beta = jnp.zeros((C_OUT,), dtype=jnp.float32)
    return {"pillars": pillars, "coords": coords, "num_points": num_points, "W": W, "gamma": gamma, "beta": beta}


def reference(pillars, coords, num_points, W, gamma, beta):
    # Pillar feature augmentation (cluster offset + pillar-center offset)
    xyz = pillars[:, :, :3]
    npts = jnp.maximum(num_points, 1).astype(jnp.float32).reshape(-1, 1, 1)
    xyz_mean = jnp.sum(xyz, axis=1, keepdims=True) / npts
    cluster = xyz - xyz_mean
    cf = coords.astype(jnp.float32)
    cx = xyz[:, :, 0] - (cf[:, 3][:, None] * PX + XOFF)
    cy = xyz[:, :, 1] - (cf[:, 2][:, None] * PY + YOFF)
    cz = xyz[:, :, 2] - (cf[:, 1][:, None] * PZ + ZOFF)
    center = jnp.stack([cx, cy, cz], axis=-1)
    feat = jnp.concatenate([pillars, cluster, center], axis=-1)  # [P, 32, 10]
    # PFNLayer: linear (no bias) -> BatchNorm1d over channel dim (training-mode batch stats) -> relu -> max over points
    h = jnp.einsum('pnc,oc->pno', feat, W)  # [P, 32, C_OUT]
    mean = jnp.mean(h, axis=(0, 1))
    var = jnp.var(h, axis=(0, 1))
    h = (h - mean) / jnp.sqrt(var + 1e-3) * gamma + beta
    h = jax.nn.relu(h)
    pv = jnp.max(h, axis=1)  # [P, C_OUT]
    # Scatter pillar features into dense BEV canvas (overwrite semantics, like feature_map[:, indices] = pv.t())
    ncells = NZ * NY * NX
    cell = coords[:, 1] + coords[:, 2] * NX + coords[:, 3]
    flat = coords[:, 0] * ncells + cell
    fm = jnp.zeros((C_OUT, B * ncells), dtype=pv.dtype).at[:, flat].set(pv.T)
    fm = fm.reshape(C_OUT, B, ncells).transpose(1, 0, 2)
    return fm.reshape(B, C_OUT * NZ, NY, NX)

if __name__ == "__main__":
    import jax
    _d = setup_inputs()
    print(jax.jit(kernel)(*tuple(_d.values())))

</pallas_src>

<mosaic_0001>
module attributes {stable_mosaic.version = 14 : i64} {
  func.func @_stats_kernel(%arg0: i32, %arg1: memref<400x32x4xf32, #tpu.memory_space<vmem>>, %arg2: memref<400x4xf32, #tpu.memory_space<vmem>>, %arg3: memref<400x1xf32, #tpu.memory_space<vmem>>, %arg4: memref<10x64xf32, #tpu.memory_space<vmem>>, %arg5: memref<2x64xf32, #tpu.memory_space<vmem>>) attributes {dimension_semantics = [#tpu.dimension_semantics<arbitrary>], iteration_bounds = array<i64: 50>, scalar_prefetch = 0 : i64, scratch_operands = 0 : i64, tpu.core_type = #tpu.core_type<tc>, window_params = [{transform_indices = @transform_0, window_bounds = array<i64: 400, 32, 4>}, {transform_indices = @transform_1, window_bounds = array<i64: 400, 4>}, {transform_indices = @transform_2, window_bounds = array<i64: 400, 1>}, {pipeline_mode = #tpu.pipeline_mode<synchronous>, transform_indices = @transform_3, window_bounds = array<i64: 10, 64>}, {pipeline_mode = #tpu.pipeline_mode<synchronous>, transform_indices = @transform_4, window_bounds = array<i64: 2, 64>}]} {
    %get3A = arith.constant 0 : index
    %get3A_0 = arith.constant 0 : index
    %get3A_1 = arith.constant 0 : index
    %get3A_2 = vector.load %arg1[%get3A, %get3A_0, %get3A_1] : memref<400x32x4xf32, #tpu.memory_space<vmem>>, vector<400x32x4xf32>
    %get3A_3 = arith.constant 0 : index
    %get3A_4 = arith.constant 0 : index
    %get3A_5 = vector.load %arg2[%get3A_3, %get3A_4] : memref<400x4xf32, #tpu.memory_space<vmem>>, vector<400x4xf32>
    %get3A_6 = arith.constant 0 : index
    %get3A_7 = arith.constant 0 : index
    %get3A_8 = vector.load %arg3[%get3A_6, %get3A_7] : memref<400x1xf32, #tpu.memory_space<vmem>>, vector<400x1xf32>
    %slice3A = vector.extract_strided_slice %get3A_2 {offsets = [0, 0, 0], sizes = [400, 32, 3], strides = [1, 1, 1]} : vector<400x32x4xf32> to vector<400x32x3xf32>
    %reduce_sum3A = arith.constant dense<0.000000e+00> : vector<400x3xf32>
    %reduce_sum3A_9 = vector.multi_reduction <add>, %slice3A, %reduce_sum3A [1] : vector<400x32x3xf32> to vector<400x3xf32>
    %broadcast_in_dim3A = vector.shape_cast %reduce_sum3A_9 : vector<400x3xf32> to vector<400x1x3xf32>
    %broadcast_in_dim3A_10 = vector.shape_cast %get3A_8 : vector<400x1xf32> to vector<400x1x1xf32>
    %div3A = vector.broadcast %broadcast_in_dim3A_10 : vector<400x1x1xf32> to vector<400x1x3xf32>
    %div3A_11 = arith.divf %broadcast_in_dim3A, %div3A : vector<400x1x3xf32>
    %sub3A = vector.broadcast %div3A_11 : vector<400x1x3xf32> to vector<400x32x3xf32>
    %sub3A_12 = arith.subf %slice3A, %sub3A : vector<400x32x3xf32>
    %slice3A_13 = vector.extract_strided_slice %slice3A {offsets = [0, 0, 0], sizes = [400, 32, 1], strides = [1, 1, 1]} : vector<400x32x3xf32> to vector<400x32x1xf32>
    %squeeze3A = vector.shape_cast %slice3A_13 : vector<400x32x1xf32> to vector<400x32xf32>
    %slice3A_14 = vector.extract_strided_slice %get3A_5 {offsets = [0, 3], sizes = [400, 1], strides = [1, 1]} : vector<400x4xf32> to vector<400x1xf32>
    %squeeze3A_15 = vector.shape_cast %slice3A_14 : vector<400x1xf32> to vector<400xf32>
    %broadcast_in_dim3A_16 = vector.shape_cast %squeeze3A_15 : vector<400xf32> to vector<400x1xf32>
    %mul3A = arith.constant 3.200000e-01 : f32
    %mul3A_17 = vector.broadcast %mul3A : f32 to vector<400x1xf32>
    %mul3A_18 = arith.mulf %broadcast_in_dim3A_16, %mul3A_17 : vector<400x1xf32>
    %add3A = arith.constant 1.600000e-01 : f32
    %add3A_19 = vector.broadcast %add3A : f32 to vector<400x1xf32>
    %add3A_20 = arith.addf %mul3A_18, %add3A_19 : vector<400x1xf32>
    %sub3A_21 = vector.broadcast %add3A_20 : vector<400x1xf32> to vector<400x32xf32>
    %sub3A_22 = arith.subf %squeeze3A, %sub3A_21 : vector<400x32xf32>
    %slice3A_23 = vector.extract_strided_slice %slice3A {offsets = [0, 0, 1], sizes = [400, 32, 1], strides = [1, 1, 1]} : vector<400x32x3xf32> to vector<400x32x1xf32>
    %squeeze3A_24 = vector.shape_cast %slice3A_23 : vector<400x32x1xf32> to vector<400x32xf32>
    %slice3A_25 = vector.extract_strided_slice %get3A_5 {offsets = [0, 2], sizes = [400, 1], strides = [1, 1]} : vector<400x4xf32> to vector<400x1xf32>
    %squeeze3A_26 = vector.shape_cast %slice3A_25 : vector<400x1xf32> to vector<400xf32>
    %broadcast_in_dim3A_27 = vector.shape_cast %squeeze3A_26 : vector<400xf32> to vector<400x1xf32>
    %mul3A_28 = arith.constant 3.200000e-01 : f32
    %mul3A_29 = vector.broadcast %mul3A_28 : f32 to vector<400x1xf32>
    %mul3A_30 = arith.mulf %broadcast_in_dim3A_27, %mul3A_29 : vector<400x1xf32>
    %add3A_31 = arith.constant -3.952000e+01 : f32
    %add3A_32 = vector.broadcast %add3A_31 : f32 to vector<400x1xf32>
    %add3A_33 = arith.addf %mul3A_30, %add3A_32 : vector<400x1xf32>
    %sub3A_34 = vector.broadcast %add3A_33 : vector<400x1xf32> to vector<400x32xf32>
    %sub3A_35 = arith.subf %squeeze3A_24, %sub3A_34 : vector<400x32xf32>
    %slice3A_36 = vector.extract_strided_slice %slice3A {offsets = [0, 0, 2], sizes = [400, 32, 1], strides = [1, 1, 1]} : vector<400x32x3xf32> to vector<400x32x1xf32>
    %squeeze3A_37 = vector.shape_cast %slice3A_36 : vector<400x32x1xf32> to vector<400x32xf32>
    %slice3A_38 = vector.extract_strided_slice %get3A_5 {offsets = [0, 1], sizes = [400, 1], strides = [1, 1]} : vector<400x4xf32> to vector<400x1xf32>
    %squeeze3A_39 = vector.shape_cast %slice3A_38 : vector<400x1xf32> to vector<400xf32>
    %broadcast_in_dim3A_40 = vector.shape_cast %squeeze3A_39 : vector<400xf32> to vector<400x1xf32>
    %mul3A_41 = arith.constant 4.000000e+00 : f32
    %mul3A_42 = vector.broadcast %mul3A_41 : f32 to vector<400x1xf32>
    %mul3A_43 = arith.mulf %broadcast_in_dim3A_40, %mul3A_42 : vector<400x1xf32>
    %add3A_44 = arith.constant -1.000000e+00 : f32
    %add3A_45 = vector.broadcast %add3A_44 : f32 to vector<400x1xf32>
    %add3A_46 = arith.addf %mul3A_43, %add3A_45 : vector<400x1xf32>
    %sub3A_47 = vector.broadcast %add3A_46 : vector<400x1xf32> to vector<400x32xf32>
    %sub3A_48 = arith.subf %squeeze3A_37, %sub3A_47 : vector<400x32xf32>
    %stack3A = vector.shape_cast %sub3A_22 : vector<400x32xf32> to vector<400x32x1xf32>
    %stack3A_49 = vector.shape_cast %sub3A_35 : vector<400x32xf32> to vector<400x32x1xf32>
    %stack3A_50 = vector.shape_cast %sub3A_48 : vector<400x32xf32> to vector<400x32x1xf32>
    %stack3A_51 = tpu.concatenate %stack3A, %stack3A_49, %stack3A_50 in 2 : vector<400x32x1xf32>, vector<400x32x1xf32>, vector<400x32x1xf32> -> vector<400x32x3xf32>
    %concatenate3A = tpu.concatenate %get3A_2, %sub3A_12, %stack3A_51 in 2 : vector<400x32x4xf32>, vector<400x32x3xf32>, vector<400x32x3xf32> -> vector<400x32x10xf32>
    %reshape3A = vector.shape_cast %concatenate3A : vector<400x32x10xf32> to vector<12800x10xf32>
    %get3A_52 = arith.constant 0 : index
    %get3A_53 = arith.constant 0 : index
    %get3A_54 = vector.load %arg4[%get3A_52, %get3A_53] : memref<10x64xf32, #tpu.memory_space<vmem>>, vector<10x64xf32>
    %dot_general3A = arith.constant dense<0.000000e+00> : vector<12800x64xf32>
    %dot_general3A_55 = tpu.matmul %reshape3A, %get3A_54, %dot_general3A {dimension_numbers = #tpu.dot_dimension_numbers<[1], [0], [0], [1], [0, 0, 1, 1], [], []>, transpose_lhs_hint = false} : vector<12800x10xf32>, vector<10x64xf32>, vector<12800x64xf32> -> vector<12800x64xf32>
    %reduce_sum3A_56 = arith.constant dense<0.000000e+00> : vector<64xf32>
    %reduce_sum3A_57 = vector.multi_reduction <add>, %dot_general3A_55, %reduce_sum3A_56 [0] : vector<12800x64xf32> to vector<64xf32>
    %mul3A_58 = arith.mulf %dot_general3A_55, %dot_general3A_55 : vector<12800x64xf32>
    %reduce_sum3A_59 = arith.constant dense<0.000000e+00> : vector<64xf32>
    %reduce_sum3A_60 = vector.multi_reduction <add>, %mul3A_58, %reduce_sum3A_59 [0] : vector<12800x64xf32> to vector<64xf32>
    %stack3A_61 = vector.shape_cast %reduce_sum3A_57 : vector<64xf32> to vector<1x64xf32>
    %stack3A_62 = vector.shape_cast %reduce_sum3A_60 : vector<64xf32> to vector<1x64xf32>
    %stack3A_63 = tpu.concatenate %stack3A_61, %stack3A_62 in 0 : vector<1x64xf32>, vector<1x64xf32> -> vector<2x64xf32>
    %eq3A = arith.constant 0 : i32
    %eq3A_64 = arith.cmpi eq, %arg0, %eq3A : i32
    %convert_element_type3A = arith.extui %eq3A_64 : i1 to i32
    %cond3A = arith.constant 0 : i32
    %cond3A_65 = arith.cmpi ne, %convert_element_type3A, %cond3A : i32
    scf.if %cond3A_65 {
      %swap3A = arith.constant 0 : index
      %swap3A_70 = arith.constant 0 : index
      %swap3A_71 = vector.load %arg5[%swap3A, %swap3A_70] : memref<2x64xf32, #tpu.memory_space<vmem>>, vector<2x64xf32>
      tpu.vector_store %arg5[%swap3A, %swap3A_70], %stack3A_63 {strides = array<i32>} : memref<2x64xf32, #tpu.memory_space<vmem>>, vector<2x64xf32>,
    } else {
    }
    %ne3A = arith.constant 0 : i32
    %ne3A_66 = arith.cmpi ne, %arg0, %ne3A : i32
    %convert_element_type3A_67 = arith.extui %ne3A_66 : i1 to i32
    %cond3A_68 = arith.constant 0 : i32
    %cond3A_69 = arith.cmpi ne, %convert_element_type3A_67, %cond3A_68 : i32
    scf.if %cond3A_69 {
      %get3A_70 = arith.constant 0 : index
      %get3A_71 = arith.constant 0 : index
      %get3A_72 = vector.load %arg5[%get3A_70, %get3A_71] : memref<2x64xf32, #tpu.memory_space<vmem>>, vector<2x64xf32>
      %add3A_73 = arith.addf %get3A_72, %stack3A_63 : vector<2x64xf32>
      %swap3A = arith.constant 0 : index
      %swap3A_74 = arith.constant 0 : index
      %swap3A_75 = vector.load %arg5[%swap3A, %swap3A_74] : memref<2x64xf32, #tpu.memory_space<vmem>>, vector<2x64xf32>
      tpu.vector_store %arg5[%swap3A, %swap3A_74], %add3A_73 {strides = array<i32>} : memref<2x64xf32, #tpu.memory_space<vmem>>, vector<2x64xf32>,
    } else {
    }
    return
  }
  func.func @transform_0(%arg0: i32) -> (i32, i32, i32) {
    %c0_i32 = arith.constant 0 : i32
    %c0_i32_0 = arith.constant 0 : i32
    %c0_i32_1 = arith.constant 0 : i32
    return %arg0, %c0_i32, %c0_i32_0 : i32, i32, i32
  }
  func.func @transform_1(%arg0: i32) -> (i32, i32) {
    %c0_i32 = arith.constant 0 : i32
    %c0_i32_0 = arith.constant 0 : i32
    return %arg0, %c0_i32 : i32, i32
  }
  func.func @transform_2(%arg0: i32) -> (i32, i32) {
    %c0_i32 = arith.constant 0 : i32
    %c0_i32_0 = arith.constant 0 : i32
    return %arg0, %c0_i32 : i32, i32
  }
  func.func @transform_3(%arg0: i32) -> (i32, i32) {
    %c0_i32 = arith.constant 0 : i32
    %c0_i32_0 = arith.constant 0 : i32
    %c0_i32_1 = arith.constant 0 : i32
    return %c0_i32, %c0_i32_0 : i32, i32
  }
  func.func @transform_4(%arg0: i32) -> (i32, i32) {
    %c0_i32 = arith.constant 0 : i32
    %c0_i32_0 = arith.constant 0 : i32
    %c0_i32_1 = arith.constant 0 : i32
    return %c0_i32, %c0_i32_0 : i32, i32
  }
}

module attributes {stable_mosaic.version = 14 : i64} {
  func.func @_pv_kernel(%arg0: i32, %arg1: memref<400x32x4xf32, #tpu.memory_space<vmem>>, %arg2: memref<400x4xf32, #tpu.memory_space<vmem>>, %arg3: memref<400x1xf32, #tpu.memory_space<vmem>>, %arg4: memref<10x64xf32, #tpu.memory_space<vmem>>, %arg5: memref<1x64xf32, #tpu.memory_space<vmem>>, %arg6: memref<400x64xf32, #tpu.memory_space<vmem>>) attributes {dimension_semantics = [#tpu.dimension_semantics<arbitrary>], iteration_bounds = array<i64: 50>, scalar_prefetch = 0 : i64, scratch_operands = 0 : i64, tpu.core_type = #tpu.core_type<tc>, window_params = [{transform_indices = @transform_0, window_bounds = array<i64: 400, 32, 4>}, {transform_indices = @transform_1, window_bounds = array<i64: 400, 4>}, {transform_indices = @transform_2, window_bounds = array<i64: 400, 1>}, {pipeline_mode = #tpu.pipeline_mode<synchronous>, transform_indices = @transform_3, window_bounds = array<i64: 10, 64>}, {pipeline_mode = #tpu.pipeline_mode<synchronous>, transform_indices = @transform_4, window_bounds = array<i64: 1, 64>}, {transform_indices = @transform_5, window_bounds = array<i64: 400, 64>}]} {
    %get3A = arith.constant 0 : index
    %get3A_0 = arith.constant 0 : index
    %get3A_1 = arith.constant 0 : index
    %get3A_2 = vector.load %arg1[%get3A, %get3A_0, %get3A_1] : memref<400x32x4xf32, #tpu.memory_space<vmem>>, vector<400x32x4xf32>
    %get3A_3 = arith.constant 0 : index
    %get3A_4 = arith.constant 0 : index
    %get3A_5 = vector.load %arg2[%get3A_3, %get3A_4] : memref<400x4xf32, #tpu.memory_space<vmem>>, vector<400x4xf32>
    %get3A_6 = arith.constant 0 : index
    %get3A_7 = arith.constant 0 : index
    %get3A_8 = vector.load %arg3[%get3A_6, %get3A_7] : memref<400x1xf32, #tpu.memory_space<vmem>>, vector<400x1xf32>
    %slice3A = vector.extract_strided_slice %get3A_2 {offsets = [0, 0, 0], sizes = [400, 32, 3], strides = [1, 1, 1]} : vector<400x32x4xf32> to vector<400x32x3xf32>
    %reduce_sum3A = arith.constant dense<0.000000e+00> : vector<400x3xf32>
    %reduce_sum3A_9 = vector.multi_reduction <add>, %slice3A, %reduce_sum3A [1] : vector<400x32x3xf32> to vector<400x3xf32>
    %broadcast_in_dim3A = vector.shape_cast %reduce_sum3A_9 : vector<400x3xf32> to vector<400x1x3xf32>
    %broadcast_in_dim3A_10 = vector.shape_cast %get3A_8 : vector<400x1xf32> to vector<400x1x1xf32>
    %div3A = vector.broadcast %broadcast_in_dim3A_10 : vector<400x1x1xf32> to vector<400x1x3xf32>
    %div3A_11 = arith.divf %broadcast_in_dim3A, %div3A : vector<400x1x3xf32>
    %sub3A = vector.broadcast %div3A_11 : vector<400x1x3xf32> to vector<400x32x3xf32>
    %sub3A_12 = arith.subf %slice3A, %sub3A : vector<400x32x3xf32>
    %slice3A_13 = vector.extract_strided_slice %slice3A {offsets = [0, 0, 0], sizes = [400, 32, 1], strides = [1, 1, 1]} : vector<400x32x3xf32> to vector<400x32x1xf32>
    %squeeze3A = vector.shape_cast %slice3A_13 : vector<400x32x1xf32> to vector<400x32xf32>
    %slice3A_14 = vector.extract_strided_slice %get3A_5 {offsets = [0, 3], sizes = [400, 1], strides = [1, 1]} : vector<400x4xf32> to vector<400x1xf32>
    %squeeze3A_15 = vector.shape_cast %slice3A_14 : vector<400x1xf32> to vector<400xf32>
    %broadcast_in_dim3A_16 = vector.shape_cast %squeeze3A_15 : vector<400xf32> to vector<400x1xf32>
    %mul3A = arith.constant 3.200000e-01 : f32
    %mul3A_17 = vector.broadcast %mul3A : f32 to vector<400x1xf32>
    %mul3A_18 = arith.mulf %broadcast_in_dim3A_16, %mul3A_17 : vector<400x1xf32>
    %add3A = arith.constant 1.600000e-01 : f32
    %add3A_19 = vector.broadcast %add3A : f32 to vector<400x1xf32>
    %add3A_20 = arith.addf %mul3A_18, %add3A_19 : vector<400x1xf32>
    %sub3A_21 = vector.broadcast %add3A_20 : vector<400x1xf32> to vector<400x32xf32>
    %sub3A_22 = arith.subf %squeeze3A, %sub3A_21 : vector<400x32xf32>
    %slice3A_23 = vector.extract_strided_slice %slice3A {offsets = [0, 0, 1], sizes = [400, 32, 1], strides = [1, 1, 1]} : vector<400x32x3xf32> to vector<400x32x1xf32>
    %squeeze3A_24 = vector.shape_cast %slice3A_23 : vector<400x32x1xf32> to vector<400x32xf32>
    %slice3A_25 = vector.extract_strided_slice %get3A_5 {offsets = [0, 2], sizes = [400, 1], strides = [1, 1]} : vector<400x4xf32> to vector<400x1xf32>
    %squeeze3A_26 = vector.shape_cast %slice3A_25 : vector<400x1xf32> to vector<400xf32>
    %broadcast_in_dim3A_27 = vector.shape_cast %squeeze3A_26 : vector<400xf32> to vector<400x1xf32>
    %mul3A_28 = arith.constant 3.200000e-01 : f32
    %mul3A_29 = vector.broadcast %mul3A_28 : f32 to vector<400x1xf32>
    %mul3A_30 = arith.mulf %broadcast_in_dim3A_27, %mul3A_29 : vector<400x1xf32>
    %add3A_31 = arith.constant -3.952000e+01 : f32
    %add3A_32 = vector.broadcast %add3A_31 : f32 to vector<400x1xf32>
    %add3A_33 = arith.addf %mul3A_30, %add3A_32 : vector<400x1xf32>
    %sub3A_34 = vector.broadcast %add3A_33 : vector<400x1xf32> to vector<400x32xf32>
    %sub3A_35 = arith.subf %squeeze3A_24, %sub3A_34 : vector<400x32xf32>
    %slice3A_36 = vector.extract_strided_slice %slice3A {offsets = [0, 0, 2], sizes = [400, 32, 1], strides = [1, 1, 1]} : vector<400x32x3xf32> to vector<400x32x1xf32>
    %squeeze3A_37 = vector.shape_cast %slice3A_36 : vector<400x32x1xf32> to vector<400x32xf32>
    %slice3A_38 = vector.extract_strided_slice %get3A_5 {offsets = [0, 1], sizes = [400, 1], strides = [1, 1]} : vector<400x4xf32> to vector<400x1xf32>
    %squeeze3A_39 = vector.shape_cast %slice3A_38 : vector<400x1xf32> to vector<400xf32>
    %broadcast_in_dim3A_40 = vector.shape_cast %squeeze3A_39 : vector<400xf32> to vector<400x1xf32>
    %mul3A_41 = arith.constant 4.000000e+00 : f32
    %mul3A_42 = vector.broadcast %mul3A_41 : f32 to vector<400x1xf32>
    %mul3A_43 = arith.mulf %broadcast_in_dim3A_40, %mul3A_42 : vector<400x1xf32>
    %add3A_44 = arith.constant -1.000000e+00 : f32
    %add3A_45 = vector.broadcast %add3A_44 : f32 to vector<400x1xf32>
    %add3A_46 = arith.addf %mul3A_43, %add3A_45 : vector<400x1xf32>
    %sub3A_47 = vector.broadcast %add3A_46 : vector<400x1xf32> to vector<400x32xf32>
    %sub3A_48 = arith.subf %squeeze3A_37, %sub3A_47 : vector<400x32xf32>
    %stack3A = vector.shape_cast %sub3A_22 : vector<400x32xf32> to vector<400x32x1xf32>
    %stack3A_49 = vector.shape_cast %sub3A_35 : vector<400x32xf32> to vector<400x32x1xf32>
    %stack3A_50 = vector.shape_cast %sub3A_48 : vector<400x32xf32> to vector<400x32x1xf32>
    %stack3A_51 = tpu.concatenate %stack3A, %stack3A_49, %stack3A_50 in 2 : vector<400x32x1xf32>, vector<400x32x1xf32>, vector<400x32x1xf32> -> vector<400x32x3xf32>
    %concatenate3A = tpu.concatenate %get3A_2, %sub3A_12, %stack3A_51 in 2 : vector<400x32x4xf32>, vector<400x32x3xf32>, vector<400x32x3xf32> -> vector<400x32x10xf32>
    %reshape3A = vector.shape_cast %concatenate3A : vector<400x32x10xf32> to vector<12800x10xf32>
    %get3A_52 = arith.constant 0 : index
    %get3A_53 = arith.constant 0 : index
    %get3A_54 = vector.load %arg4[%get3A_52, %get3A_53] : memref<10x64xf32, #tpu.memory_space<vmem>>, vector<10x64xf32>
    %dot_general3A = arith.constant dense<0.000000e+00> : vector<12800x64xf32>
    %dot_general3A_55 = tpu.matmul %reshape3A, %get3A_54, %dot_general3A {dimension_numbers = #tpu.dot_dimension_numbers<[1], [0], [0], [1], [0, 0, 1, 1], [], []>, transpose_lhs_hint = false} : vector<12800x10xf32>, vector<10x64xf32>, vector<12800x64xf32> -> vector<12800x64xf32>
    %get3A_56 = arith.constant 0 : index
    %get3A_57 = arith.constant 0 : index
    %get3A_58 = vector.load %arg5[%get3A_56, %get3A_57] : memref<1x64xf32, #tpu.memory_space<vmem>>, vector<1x64xf32>
    %add3A_59 = vector.broadcast %get3A_58 : vector<1x64xf32> to vector<12800x64xf32>
    %add3A_60 = arith.addf %dot_general3A_55, %add3A_59 : vector<12800x64xf32>
    %max3A = arith.constant 0.000000e+00 : f32
    %max3A_61 = vector.broadcast %max3A : f32 to vector<12800x64xf32>
    %max3A_62 = arith.maximumf %add3A_60, %max3A_61 : vector<12800x64xf32>
    %reshape3A_63 = vector.shape_cast %max3A_62 : vector<12800x64xf32> to vector<400x32x64xf32>
    %reduce_max3A = arith.constant dense<0xFF800000> : vector<400x64xf32>
    %reduce_max3A_64 = vector.multi_reduction <maximumf>, %reshape3A_63, %reduce_max3A [1] : vector<400x32x64xf32> to vector<400x64xf32>
    %swap3A = arith.constant 0 : index
    %swap3A_65 = arith.constant 0 : index
    %swap3A_66 = vector.load %arg6[%swap3A, %swap3A_65] : memref<400x64xf32, #tpu.memory_space<vmem>>, vector<400x64xf32>
    tpu.vector_store %arg6[%swap3A, %swap3A_65], %reduce_max3A_64 {strides = array<i32>} : memref<400x64xf32, #tpu.memory_space<vmem>>, vector<400x64xf32>,
    return
  }
  func.func @transform_0(%arg0: i32) -> (i32, i32, i32) {
    %c0_i32 = arith.constant 0 : i32
    %c0_i32_0 = arith.constant 0 : i32
    %c0_i32_1 = arith.constant 0 : i32
    return %arg0, %c0_i32, %c0_i32_0 : i32, i32, i32
  }
  func.func @transform_1(%arg0: i32) -> (i32, i32) {
    %c0_i32 = arith.constant 0 : i32
    %c0_i32_0 = arith.constant 0 : i32
    return %arg0, %c0_i32 : i32, i32
  }
  func.func @transform_2(%arg0: i32) -> (i32, i32) {
    %c0_i32 = arith.constant 0 : i32
    %c0_i32_0 = arith.constant 0 : i32
    return %arg0, %c0_i32 : i32, i32
  }
  func.func @transform_3(%arg0: i32) -> (i32, i32) {
    %c0_i32 = arith.constant 0 : i32
    %c0_i32_0 = arith.constant 0 : i32
    %c0_i32_1 = arith.constant 0 : i32
    return %c0_i32, %c0_i32_0 : i32, i32
  }
  func.func @transform_4(%arg0: i32) -> (i32, i32) {
    %c0_i32 = arith.constant 0 : i32
    %c0_i32_0 = arith.constant 0 : i32
    %c0_i32_1 = arith.constant 0 : i32
    return %c0_i32, %c0_i32_0 : i32, i32
  }
  func.func @transform_5(%arg0: i32) -> (i32, i32) {
    %c0_i32 = arith.constant 0 : i32
    %c0_i32_0 = arith.constant 0 : i32
    return %arg0, %c0_i32 : i32, i32
  }
}

module attributes {stable_mosaic.version = 14 : i64} {
  func.func @_scatter_kernel(%arg0: i32, %arg1: memref<20000xi32, #tpu.memory_space<smem>>, %arg2: memref<20000xi32, #tpu.memory_space<smem>>, %arg3: memref<9xi32, #tpu.memory_space<smem>>, %arg4: memref<20000x64xf32, #tpu.memory_space<vmem>>, %arg5: memref<26784x64xf32, #tpu.memory_space<vmem>>) attributes {dimension_semantics = [#tpu.dimension_semantics<arbitrary>], iteration_bounds = array<i64: 8>, scalar_prefetch = 3 : i64, scratch_operands = 0 : i64, tpu.core_type = #tpu.core_type<tc>, window_params = [{pipeline_mode = #tpu.pipeline_mode<synchronous>, transform_indices = @transform_0, window_bounds = array<i64: 20000, 64>}, {transform_indices = @transform_1, window_bounds = array<i64: 26784, 64>}]} {
    %mul3A = arith.constant 26784 : i32
    %mul3A_0 = arith.muli %arg0, %mul3A : i32
    %broadcast_in_dim3A = arith.constant 0.000000e+00 : f32
    %broadcast_in_dim3A_1 = vector.broadcast %broadcast_in_dim3A : f32 to vector<26784x64xf32>
    %swap3A = arith.constant 0 : index
    %swap3A_2 = arith.constant 0 : index
    %swap3A_3 = vector.load %arg5[%swap3A, %swap3A_2] : memref<26784x64xf32, #tpu.memory_space<vmem>>, vector<26784x64xf32>
    tpu.vector_store %arg5[%swap3A, %swap3A_2], %broadcast_in_dim3A_1 {strides = array<i32>} : memref<26784x64xf32, #tpu.memory_space<vmem>>, vector<26784x64xf32>,
    %get3A = arith.index_cast %arg0 : i32 to index
    %get3A_4 = memref.load %arg3[%get3A] : memref<9xi32, #tpu.memory_space<smem>>
    %add3A = arith.constant 1 : i32
    %add3A_5 = arith.addi %arg0, %add3A : i32
    %get3A_6 = arith.index_cast %add3A_5 : i32 to index
    %get3A_7 = memref.load %arg3[%get3A_6] : memref<9xi32, #tpu.memory_space<smem>>
    %while3A = arith.constant 0 : i32
    %while3A_8 = arith.subi %get3A_7, %get3A_4 : i32
    %while3A_9 = arith.addi %get3A_4, %while3A_8 : i32
    %while3A_10 = arith.constant 1 : i32
    %while3A_11 = arith.divsi %while3A_8, %while3A_10 : i32
    %while3A_12 = arith.muli %while3A_11, %while3A_10 : i32
    %while3A_13 = arith.addi %get3A_4, %while3A_12 : i32
    %while3A_14 = arith.constant 1 : i32
    scf.for %while3A_16 = %get3A_4 to %while3A_13 step %while3A_14  : i32 {
      %get3A_17 = arith.index_cast %while3A_16 : i32 to index
      %get3A_18 = memref.load %arg1[%get3A_17] : memref<20000xi32, #tpu.memory_space<smem>>
      %sub3A = arith.subi %get3A_18, %mul3A_0 : i32
      %get3A_19 = arith.index_cast %while3A_16 : i32 to index
      %get3A_20 = memref.load %arg2[%get3A_19] : memref<20000xi32, #tpu.memory_space<smem>>
      %get3A_21 = arith.index_cast %get3A_20 : i32 to index
      %get3A_22 = arith.constant 0 : index
      %get3A_23 = vector.load %arg4[%get3A_21, %get3A_22] : memref<20000x64xf32, #tpu.memory_space<vmem>>, vector<1x64xf32>
      %swap3A_24 = arith.index_cast %sub3A : i32 to index
      %swap3A_25 = arith.constant 0 : index
      %swap3A_26 = vector.load %arg5[%swap3A_24, %swap3A_25] : memref<26784x64xf32, #tpu.memory_space<vmem>>, vector<1x64xf32>
      tpu.vector_store %arg5[%swap3A_24, %swap3A_25], %get3A_23 {strides = array<i32>} : memref<26784x64xf32, #tpu.memory_space<vmem>>, vector<1x64xf32>,
    }
    %while3A_15 = arith.constant 1 : i32
    scf.for %while3A_16 = %while3A_13 to %while3A_9 step %while3A_15  : i32 {
      %get3A_17 = arith.index_cast %while3A_16 : i32 to index
      %get3A_18 = memref.load %arg1[%get3A_17] : memref<20000xi32, #tpu.memory_space<smem>>
      %sub3A = arith.subi %get3A_18, %mul3A_0 : i32
      %get3A_19 = arith.index_cast %while3A_16 : i32 to index
      %get3A_20 = memref.load %arg2[%get3A_19] : memref<20000xi32, #tpu.memory_space<smem>>
      %get3A_21 = arith.index_cast %get3A_20 : i32 to index
      %get3A_22 = arith.constant 0 : index
      %get3A_23 = vector.load %arg4[%get3A_21, %get3A_22] : memref<20000x64xf32, #tpu.memory_space<vmem>>, vector<1x64xf32>
      %swap3A_24 = arith.index_cast %sub3A : i32 to index
      %swap3A_25 = arith.constant 0 : index
      %swap3A_26 = vector.load %arg5[%swap3A_24, %swap3A_25] : memref<26784x64xf32, #tpu.memory_space<vmem>>, vector<1x64xf32>
      tpu.vector_store %arg5[%swap3A_24, %swap3A_25], %get3A_23 {strides = array<i32>} : memref<26784x64xf32, #tpu.memory_space<vmem>>, vector<1x64xf32>,
    }
    return
  }
  func.func @transform_0(%arg0: i32, %arg1: memref<20000xi32, #tpu.memory_space<smem>>, %arg2: memref<20000xi32, #tpu.memory_space<smem>>, %arg3: memref<9xi32, #tpu.memory_space<smem>>) -> (i32, i32) {
    %c0_i32 = arith.constant 0 : i32
    %c0_i32_0 = arith.constant 0 : i32
    %c0_i32_1 = arith.constant 0 : i32
    return %c0_i32, %c0_i32_0 : i32, i32
  }
  func.func @transform_1(%arg0: i32, %arg1: memref<20000xi32, #tpu.memory_space<smem>>, %arg2: memref<20000xi32, #tpu.memory_space<smem>>, %arg3: memref<9xi32, #tpu.memory_space<smem>>) -> (i32, i32) {
    %c0_i32 = arith.constant 0 : i32
    %c0_i32_0 = arith.constant 0 : i32
    return %arg0, %c0_i32 : i32, i32
  }
}

</mosaic_0001>

<sc_bundles>
// kernel: gather_offload_async_start
scs
__scs_entry_jumppad:
0x0: {  	(pc) =	sbr.rel $0x88, $3  }
0x1: {  	(tag) =	ssettag $0x0;
	lr =	simm.s32 $0x1  }
0x2: {  	[smem:$0x3F9B] =	sst lr;
	_ =	strace $0xD0000000  }
0x3: {  	_ = 	snop  }
0x4: {  	_ = 	snop  }
0x5: {  	_ = 	snop  }
0x6: {  	_ = 	snop  }
0x7: {  	_ = 	snop  }
__scs_overlays_trampoline_lowered:
0x8: {  	[smem:$0x3FAA] =	sst s0  }
0x9: {  	[smem:$0x3FAB] =	sst s1  }
0xa: {  	[smem:$0x3FAC] =	sst s2  }
0xb: {  	[smem:$0x3FAD] =	sst s3  }
0xc: {  	[smem:$0x3FAE] =	sst s4  }
0xd: {  	[smem:$0x3FAF] =	sst s5  }
0xe: {  	[smem:$0x3FB0] =	sst s6  }
0xf: {  	[smem:$0x3FB1] =	sst s7  }
0x10: {  	[smem:$0x3FB2] =	sst s8  }
0x11: {  	[smem:$0x3FB3] =	sst s9;
	s0 =	simm.s32 @!p0 $0x0  }
0x12: {  	s1 =	sld [smem:$0x3F99];
	s0 =	simm.s32 @p0 $0x1  }
0x13: {  	[smem:$0x3FB4] =	sst s0;
	s0 =	simm.s32 @!p1 $0x0  }
0x14: {  	s2 =	sld [smem:$0x3F98];
	s0 =	simm.s32 @p1 $0x1  }
0x15: {  	[smem:$0x3FB5] =	sst s0;
	s0 =	simm.s32 @!p2 $0x0  }
0x16: {  	s3 =	sld [smem:$0x3FDB];
	s0 =	simm.s32 @p2 $0x1  }
0x17: {  	s4 =	simm.s32 $0x1BF5;
	[smem:$0x3FB7] =	sst s0  }
0x18: {  	s0 =	sld [smem:$0x3F9A];
	_ =	swait.ge [sflag:s4], $0x0  }
0x19: {  	s7 =	sld [smem:$0x3F9B]  }
0x1a: {  	s8 =	sadd.s32 $0xFFFFE003, lr  }
0x1b: {  	s9 =	sadd.s32 $0xFFFFFEF7, lr;
	s5 =	simm.s32 $0xFFFFFFFF;
	p2 =	slt.u32 s8, $0xFFFFF086  }
0x1c: {  	p1 =	slt.u32 s9, $0xF7A;
	s5 =	simm.s32 @!p2 $0x0  }
0x1d: {  	s5 =	simm.s32 @p1 $0x1;
	p0 =	seq.s32 s7, s2  }
0x1e: {  	s7 =	smul.u32 @!p0 $0xF7A, s2;
	p2 =	seq.s32 @!p0 s5, $0x0  }
0x1f: {  	s9 =	smul.u32 $0xF7A, s1;
	s8 =	simm.s32 @!p0 $0x1BF5;
	p2 =	por !p2, p0  }
0x20: {  	[sflag:s8] =	ssyncset.s32 @!p0 $0xFFFFF086;
	s6 =	sadd.s32 @!p0 s3, s7;
	s7 =	simm.s32 @!p0 $0x108  }
0x21: {  	s3 =	sadd.s32 s3, s9;
	s6 =	sadd.s32 @!p0 $0x88, s6;
	s7 =	simm.s32 @p2 $0x1082  }
0x22: {  	[simem:s7], [sflag:s8] =	dma.local @!p0 [hbm:s6], $0xF7A  }
0x23: {  	s9 =	sor.u32 $0xD0000000, s2;
	s6 =	simm.s32 $0x108;
	_ =	swait.ge @!p0 [sflag:s8], $0x0  }
0x24: {  	s3 =	sadd.s32 $0x88, s3;
	s6 =	simm.s32 @!p1 $0x1082;
	[sflag:s4] =	ssyncset.s32 $0xFFFFF086  }
0x25: {  	[simem:s6], [sflag:s4] =	dma.local [hbm:s3], $0xF7A  }
0x26: {  	[smem:$0x3F9B] =	sst s1;
	(tag) =	ssettag s2;
	_ =	strace s9  }
0x27: {  	s1 =	sld [smem:$0x3FAB]  }
0x28: {  	s2 =	sld [smem:$0x3FAC]  }
0x29: {  	s4 =	sld [smem:$0x3FAE]  }
0x2a: {  	p0 =	seq.s32 s5, $0x0;
	s5 =	sld [smem:$0x3FAF]  }
0x2b: {  	s6 =	sld [smem:$0x3FB0]  }
0x2c: {  	s7 =	sld [smem:$0x3FB1]  }
0x2d: {  	s3 =	simm.s32 $0x108;
	s8 =	sld [smem:$0x3FB2]  }
0x2e: {  	s3 =	simm.s32 @!p0 $0x1082;
	s9 =	sld [smem:$0x3FB3]  }
0x2f: {  	lr =	sadd.s32 s0, s3;
	s0 =	sld [smem:$0x3FAA]  }
0x30: {  	s3 =	sld [smem:$0x3FAD]  }
0x31: {  	[smem:$0x3FB6] =	sst s10  }
0x32: {  	s10 =	sld [smem:$0x3FB4];
	_ =	sdelay $0x3  }
0x33: {  	p0 =	seq.s32 s10, $0x1;
	s10 =	sld [smem:$0x3FB6];
	_ =	sdelay $0x3  }
0x34: {  	[smem:$0x3FB6] =	sst s10  }
0x35: {  	s10 =	sld [smem:$0x3FB5];
	_ =	sdelay $0x3  }
0x36: {  	p1 =	seq.s32 s10, $0x1;
	s10 =	sld [smem:$0x3FB6];
	_ =	sdelay $0x3  }
0x37: {  	[smem:$0x3FB6] =	sst s10  }
0x38: {  	s10 =	sld [smem:$0x3FB7]  }
0x39: {  	_ = 	snop;
	(pc) =	sbr.ind lr, $3  }
0x3a: {  	_ = 	snop  }
0x3b: {  	_ = 	snop  }
0x3c: {  	p2 =	seq.s32 s10, $0x1;
	s10 =	sld [smem:$0x3FB6]  }
0x3d: {  	_ =	shalt  }
0x3e: {  	_ =	shalt  }
0x3f: {  	_ =	shalt  }
0x40: {  	_ =	shalt  }
0x41: {  	_ =	shalt  }
0x42: {  	_ =	shalt  }
0x43: {  	_ =	shalt  }
0x44: {  	_ =	shalt  }
0x45: {  	_ =	shalt  }
0x46: {  	_ =	shalt  }
0x47: {  	_ =	shalt  }
0x48: {  	_ =	shalt  }
0x49: {  	_ =	shalt  }
0x4a: {  	_ =	shalt  }
0x4b: {  	_ =	shalt  }
0x4c: {  	_ =	shalt  }
0x4d: {  	_ =	shalt  }
0x4e: {  	_ =	shalt  }
0x4f: {  	_ =	shalt  }
0x50: {  	_ =	shalt  }
0x51: {  	_ =	shalt  }
0x52: {  	_ =	shalt  }
0x53: {  	_ =	shalt  }
0x54: {  	_ =	shalt  }
0x55: {  	_ =	shalt  }
0x56: {  	_ =	shalt  }
0x57: {  	_ =	shalt  }
0x58: {  	_ =	shalt  }
0x59: {  	_ =	shalt  }
0x5a: {  	_ =	shalt  }
0x5b: {  	_ =	shalt  }
0x5c: {  	_ =	shalt  }
0x5d: {  	_ =	shalt  }
0x5e: {  	_ =	shalt  }
0x5f: {  	_ =	shalt  }
0x60: {  	_ =	shalt  }
0x61: {  	_ =	shalt  }
0x62: {  	_ =	shalt  }
0x63: {  	_ =	shalt  }
0x64: {  	_ =	shalt  }
0x65: {  	_ =	shalt  }
0x66: {  	_ =	shalt  }
0x67: {  	_ =	shalt  }
0x68: {  	_ =	shalt  }
0x69: {  	_ =	shalt  }
0x6a: {  	_ =	shalt  }
0x6b: {  	_ =	shalt  }
0x6c: {  	_ =	shalt  }
0x6d: {  	_ =	shalt  }
0x6e: {  	_ =	shalt  }
0x6f: {  	_ =	shalt  }
0x70: {  	_ =	shalt  }
0x71: {  	_ =	shalt  }
0x72: {  	_ =	shalt  }
0x73: {  	_ =	shalt  }
0x74: {  	_ =	shalt  }
0x75: {  	_ =	shalt  }
0x76: {  	_ =	shalt  }
0x77: {  	_ =	shalt  }
0x78: {  	_ =	shalt  }
0x79: {  	_ =	shalt  }
0x7a: {  	_ =	shalt  }
0x7b: {  	_ =	shalt  }
0x7c: {  	_ =	shalt  }
0x7d: {  	_ =	shalt  }
0x7e: {  	_ =	shalt  }
0x7f: {  	_ =	shalt  }
0x80: {  	_ =	shalt  }
0x81: {  	_ =	shalt  }
0x82: {  	_ =	shalt  }
0x83: {  	_ =	shalt  }
0x84: {  	_ =	shalt  }
0x85: {  	_ =	shalt  }
0x86: {  	_ =	shalt  }
0x87: {  	_ =	shalt  }
.Lfunc_end0:
.L_simem_size_0:
called_computation.2_lowered:
.L_overlay_start_0:
0x88: {  	s2 =	sld [smem:$0x3FD9]  }
0x89: {  	s3 =	sld [smem:$0x3FFE];
	_ =	sdelay $0x1  }
0x8a: {  	s1 =	srdreg.scid  }
0x8b: {  	s0 =	sand.u32 $0x1, s1  }
0x8c: {  	s16 =	sshll.u32 s0, $0xA;
	s2 =	sadd.s32 s3, s2  }
0x8d: {  	s2 =	sadd.s32 s2, s16  }
0x8e: {  	[smem:$0x3FC2] =	sst s2  }
0x8f: {  	_ = 	snop  }
0x90: {  	(tm) =	ssettm $0x1  }
0x91: {  	s17 =	sld [smem:$0x3FFB];
	_ =	sdelay $0x3  }
0x92: {  	_ =	strace s17  }
0x93: {  	s2 =	sld [smem:$0x3FFC];
	_ =	sdelay $0x3  }
0x94: {  	_ =	strace s2  }
0x95: {  	s2 =	sld [smem:$0x3FFD];
	_ =	sdelay $0x3  }
0x96: {  	_ =	strace s2  }
0x97: {  	_ =	strace $0x8FFFFFFF  }
0x98: {  	s18 =	sld [smem:$0x3FDB];
	_ =	sdelay $0x1  }
0x99: {  	s19 =	simm.s32 $_scs_section_size  }
0x9a: {  	s4 =	simm.s32 $_size__tile_overlayer_lowered;
	s5 =	simm.s32 $_tile_overlayer_lowered  }
0x9b: {  	s22 =	simm.s32 $0x1BFF;
	s21 =	sshll.u32 s5, $0x1;
	s2 =	sadd.s32 s19, s18  }
0x9c: {  	s6 =	simm.s32 $0x0;
	s20 =	sshll.u32 s4, $0x1;
	s4 =	sadd.s32 s21, s2  }
0x9d: {  	[timem:s6], [sflag:s22] =	dma.local [hbm:s4], s20  }
0x9e: {  	_ =	swait.ge [sflag:s22], s20  }
0x9f: {  	s3 =	ssub.s32 $0x0, s20;
	[sflag:s22] =	ssyncset.done $0x0  }
0xa0: {  	[sflag:s22] =	ssyncadd.s32 s3;
	_ =	sdelay $0x1  }
0xa1: {  	s23 =	simm.s32 $0x1B8B  }
0xa2: {  	_ =	swait.ge [sflag:s23], $0x1  }
0xa3: {  	[sflag:s23] =	ssyncset.done $0x0  }
0xa4: {  	s25 =	simm.s32 $0x1B8E;
	s24 =	sld [smem:$0x3FFE];
	[sflag:s23] =	ssyncadd.s32 $0xFFFFFFFF  }
0xa5: {  	s26 =	simm.s32 $execute0_lowered;
	[smem:$0x3FD2] =	sst s25  }
0xa6: {  	s4 =	sshll.u32 s26, $0x1;
	_ =	strace $0x80000046;
	[dreg:$0x1] =	wrdreg $0xFFFFFFFF  }
0xa7: {  	s28 =	simm.s32 $_size_execute0_lowered;
	s2 =	sadd.s32 s2, s4;
	[dreg:$0x0] =	wrdreg $0x0  }
0xa8: {  	s4 =	sshll.u32 s28, $0x1;
	[dreg:$0x2] =	wrdreg s2  }
0xa9: {  	[dreg:$0x3] =	wrdreg s4  }
0xaa: {  	[dreg:$0x4] =	wrdreg $0xC0  }
0xab: {  	_ =	task [dreg:s6], $0x5FFFF  }
0xac: {  	[dreg:$0x1] =	wrdreg $0xFFFFFFFF  }
0xad: {  	[dreg:$0x0] =	wrdreg $0x60  }
0xae: {  	[dreg:$0x2] =	wrdreg s24  }
0xaf: {  	[dreg:$0x3] =	wrdreg $0x9  }
0xb0: {  	_ =	task.clear_ibuf [dreg:s6], $0x4FFFF;
	_ =	strace $0x90000046  }
0xb1: {  	s29 =	simm.s32 $0x9;
	_ =	strace $0x80000048  }
0xb2: {  	_ =	swait.ge [sflag:s29], $0x1  }
0xb3: {  	[sflag:s29] =	ssyncadd.s32 $0xFFFFFFFF  }
0xb4: {  	_ =	strace $0x90000048  }
0xb5: {  	_ =	sfence  }
0xb6: {  	s30 =	sld [smem:$0x0];
	_ =	sdelay $0x2  }
0xb7: {  	s31 =	sshll.u32 s1, $0xD;
	s1 =	sshrl.u32 s1, $0x2  }
0xb8: {  	s3 =	sand.u32 $0x4000, s31;
	s1 =	sadd.s32 s1, s30  }
0xb9: {  	s0 =	sor.u32 s3, s0;
	s1 =	sshll.u32 s1, $0x11  }
0xba: {  	s0 =	sor.u32 s1, s0  }
0xbb: {  	s0 =	sadd.s32 $0x8F2B, s0  }
0xbc: {  	[sflag:s0] =	ssyncadd.remote.s32 $0x1  }
0xbd: {  	_ =	sfence.sel $0xFFFF  }
0xbe: {  	[dreg:$0x0] =	wrdreg $0xFFFFFFFF;
	(pc) =	sbr.abs _section_cstart, $3  }
0xbf: {  	[dreg:$0x1] =	wrdreg $0xFFFFFFFF  }
0xc0: {  	_ =	task.clear_ibuf [dreg:s6], $0x2FFFF;
	_ =	strace $0x9FFFFFFF  }
0xc1: {  	(tm) =	ssettm $0x7FFFFFFF  }
tec
execute0_lowered:
.L_overlay_start_1:
0x0: {  	(tag) =	ssettag $0x1  }
0x1: {  	s8 =	rddreg [dreg:$0x0]  }
0x2: {  	s0 =	rddreg [dreg:$0x1];
	_ =	strace $0x80000047;
	s1 =	stileid.u32  }
0x3: {  	s3 =	srdreg.scid;
	s4 =	simm.s32 $0x1;
	s7 =	simm.s32 $0x1  }
0x4: {  	s9 =	simm.s32 $0x1;
	s10 =	simm.s32 $0x3;
	s13 =	simm.s32 $0x0  }
0x5: {  	s12 =	simm.s32 $0x0;
	s5 =	sand.u32 $0x1, s3;
	s6 =	sshll.u32 s1, $0x1  }
0x6: {  	s2 =	sadd.s32 $0x1200, s8;
	s3 =	sadd.s32 $0x9C6A00, s8;
	s5 =	sor.u32 s6, s5  }
.Ltmp0:
0x7: {  	[sflag:s4] =	ssyncpa.u1 $0x0;
	p0 =	slt.u32 s5, $0x13;
	(pc) =	sbr.rel .LBB2_1-.Ltmp0, $4  }
0x8: {  	s6 =	simm.s32 $0x2;
	s7 =	simm.s32 @!p0 $0x0;
	p0 =	sne.s32 s5, $0x12  }
0x9: {  	[sflag:s6] =	ssyncpa.u1 $0x0;
	s5 =	smul.u32 $0x190, s5;
	s9 =	simm.s32 @!p0 $0x0  }
0xa: {  	s8 =	sadd.s32 $0x9C7600, s8;
	[sflag:s10] =	ssyncpa.u1 $0x0;
	s7 =	sadd.s32 s9, s7  }
0xb: {  	vm0 =	vmmov $0xffff;
	s10 =	simm.s32 $0x0;
	s11 =	smov.u32 s5;
	s9 =	sadd.s32 $0x1, s7  }
.LBB2_4:
0xc: {  	v2 =	vnsel vm1, $0x0, v2  }
0xd: {  	vm1 =	vgt.s32 v0, $0x0;
	v2 =	vmin.u32 v2, $0x4E1F  }
0xe: {  	v0 =	vnsel vm1, $0x0, v0  }
0xf: {  	v0 =	vmin.u32 v0, $0x4E1F  }
0x10: {  	[tilespmem:s18], [sflag:$0x1] =	stream.indirect_vreg.gather [hbm4b:s2+s10], $0x1, v1, vm0, $0x4038;
	[tilespmem:$0x640] =	vst v63  }
0x11: {  	(ifvalue) =	ssetifvalue $0x7FFFFFFF  }
0x12: {  	[tilespmem:s15], [sflag:$0x1] =	stream.indirect_vreg.gather [hbm4b:s2+s10], $0x1, v2, vm0, $0x4038;
	[tilespmem:$0x640] =	vst v63  }
0x13: {  	s29 =	sadd.s32 $0x10, s15;
	(ifvalue) =	ssetifvalue $0x7FFFFFFF  }
0x14: {  	[tilespmem:s29], [sflag:$0x1] =	stream.indirect_vreg.gather [hbm4b:s2+s10], $0x1, v0, vm0, $0x4038;
	[tilespmem:$0x640] =	vst v63  }
0x15: {  	_ =	swait.ge [sflag:s4], $0x190  }
0x16: {  	s30 =	sshrl.u32 s13, $0x3;
	[sflag:s4] =	ssyncset.done $0x0  }
0x17: {  	s31 =	sand.u32 $0x7, s13;
	s15 =	sadd.s32 s8, s30;
	[sflag:s4] =	ssyncadd.s32 $0xFFFFFE70  }
0x18: {  	[hbm4b:s15+s31] =	stream.linear.scatter [tilespmem:s14], [sflag:$0x3], $0x190, $0x38;
	[tilespmem:$0x640] =	vst v63  }
.LBB2_5:
0x19: {  	s15 =	sadd.s32 $0x3200, s11  }
0x1a: {  	p1 =	sgt.s32 s15, $0x4E1F  }
0x1b: {  	s15 =	smov.u32 @p1 s5;
	p1 =	sne.s32 s12, s9  }
.Ltmp1:
0x1c: {  	p0 =	slt.u32 s12, $0x2;
	(pc) =	sbr.rel @!p1 .LBB2_6-.Ltmp1, $4  }
0x1d: {  	s14 =	simm.s32 @!p0 $0x3  }
0x1e: {  	_ =	swait.ge @!p0 [sflag:s14], $0x190  }
0x1f: {  	s16 =	sadd.s32 $0x1, s12;
	s13 =	smov.u32 s11;
	[sflag:s14] =	ssyncset.done @!p0 $0x0  }
0x20: {  	s12 =	smov.u32 s16;
	s11 =	smov.u32 s15;
	[sflag:s14] =	ssyncadd.s32 @!p0 $0xFFFFFE70  }
.LBB2_1:
0x21: {  	p0 =	sge.u32 s12, s7  }
0x22: {  	s14 =	sxor.u32 @!p0 $0x1, s12  }
0x23: {  	s14 =	smul.u32 @!p0 $0x640, s14  }
0x24: {  	s31 =	sadd.s32 $0xFFFFFFFF, s12;
	s15 =	sshrl.u32 @!p0 s11, $0x3  }
0x25: {  	s16 =	sand.u32 @!p0 $0x7, s11;
	s15 =	sadd.s32 @!p0 s3, s15;
	s14 =	sshra.s32 @!p0 s14, $0x2  }
0x26: {  	[tilespmem:s14], [sflag:$0x2] =	stream.linear.gather @!p0 [hbm4b:s15+s16], $0x190, $0x38;
	[tilespmem:$0x640] =	vst v63  }
0x27: {  	p0 =	sge.u32 s31, s7  }
.Ltmp2:
0x28: {  	_ = 	snop;
	(pc) =	sbr.rel @p0 .LBB2_5-.Ltmp2, $1  }
0x29: {  	_ =	sdelay $0x3  }
0x2a: {  	s14 =	sand.u32 $0x1, s12  }
0x2b: {  	_ =	swait.ge [sflag:s6], $0x190;
	p0 =	seq.s32 s14, $0x1;
	s14 =	simm.s32 $0x190  }
0x2c: {  	[sflag:s6] =	ssyncset.done $0x0;
	s14 =	simm.s32 @!p0 $0x0  }
0x2d: {  	[sflag:s6] =	ssyncadd.s32 $0xFFFFFE70;
	(ifvalue) =	ssetifvalue $0x7FFFFFFF;
	v0 =	vld.msk [tilespmem:s14+$0x0 ss:$0x1], $0xffff;
	_ =	sdelay $0x4  }
0x2e: {  	s15 =	sadd.s32 $0x10, s14;
	vm1 =	vgt.s32 v0, $0x0  }
0x2f: {  	v2 =	vld.msk [tilespmem:s15+$0x0 ss:$0x1], $0xffff;
	v1 =	vnsel vm1, $0x0, v0  }
0x30: {  	v1 =	vmin.u32 v1, $0x4E1F;
	_ =	sdelay $0x2  }
0x31: {  	s17 =	simm.s32 $0x20;
	s14 =	sadd.s32 $0x320, s14;
	s16 =	sadd.s32 $0x10, s15  }
0x32: {  	s15 =	sadd.s32 $0x10, s14;
	s18 =	smov.u32 s14;
	v0 =	vld.msk [tilespmem:s16+$0x0 ss:$0x1], $0xffff;
	vm1 =	vgt.s32 v2, $0x0;
	(ifvalue) =	ssetifvalue $0x7FFFFFFF  }
.LBB2_3:
0x33: {  	[tilespmem:s18], [sflag:$0x1] =	stream.indirect_vreg.gather [hbm4b:s2+s10], $0x1, v1, vm0, $0x4038;
	[tilespmem:$0x640] =	vst v63  }
0x34: {  	s17 =	sadd.s32 $0x10, s17  }
0x35: {  	v2 =	vnsel vm1, $0x0, v2;
	p0 =	slt.u32 s17, $0x180  }
.Ltmp3:
0x36: {  	s18 =	smov.u32 s15;
	v1 =	vmin.u32 v2, $0x4E1F;
	(pc) =	sbr.rel @p0 .LBB2_3-.Ltmp3, $3  }
0x37: {  	_ =	sdelay $0x1  }
0x38: {  	s16 =	sadd.s32 $0x10, s16  }
0x39: {  	vm1 =	vgt.s32 v0, $0x0;
	s15 =	sadd.s32 $0x10, s15;
	v2 =	vmov v0;
	(ifvalue) =	ssetifvalue $0x7FFFFFFF;
	v0 =	vld.msk [tilespmem:s16+$0x0 ss:$0x1], $0xffff  }
.Ltmp4:
0x3a: {  	_ = 	snop;
	(pc) =	sbr.rel .LBB2_4-.Ltmp4, $1  }
0x3b: {  	_ =	sdelay $0x3  }
.LBB2_6:
0x3c: {  	_ =	sfence.sel $0x180000  }
0x3d: {  	s2 =	simm.s32 $0x2;
	[bflag:$0x0] =	sbarrier.arrive $0xFFFF  }
0x3e: {  	s30 =	simm.s32 $0x3;
	[sflag:s2] =	ssyncpa.u1 $0x1  }
0x3f: {  	s31 =	simm.s32 $0x1;
	[sflag:s30] =	ssyncpa.u1 $0x1  }
0x40: {  	[sflag:s31] =	ssyncpa.u1 $0x1  }
0x41: {  	p0 =	sne.s32 s1, $0x0;
	_ =	strace $0x90000047  }
0x42: {  	s0 =	sadd.s32 @!p0 $0x100000, s0;
	[bflag:$0x2] =	sbarrier.arrive $0xFFFF  }
0x43: {  	[sflag:s0] =	ssyncadd.tile.s32 @!p0 $0x1;
	_ =	shalt  }
.Lfunc_end2:
_tile_overlayer_lowered:
.L_overlay_start_2:
0x44: {  	(tag) =	ssettag $0x2  }
0x45: {  	s0 =	rddreg [dreg:$0x0];
	s2 =	stileid.u32  }
0x46: {  	s1 =	rddreg [dreg:$0x1];
	p0 =	sne.s32 s2, $0x0  }
0x47: {  	s3 =	rddreg [dreg:$0x2];
	[bflag:$0x3] =	sbarrier.arrive $0xFFFF;
	s2 =	simm.s32 @!p0 $0x1C01  }
0x48: {  	[timem:s3], [sflag:s2] =	dma.local @!p0 [hbm:s0], s1  }
0x49: {  	s0 =	simm.s32 @!p0 $0x1  }
0x4a: {  	_ =	swait.ge @!p0 [sflag:s0], s1  }
0x4b: {  	s1 =	ssub.s32 @!p0 $0x0, s1;
	[sflag:s0] =	ssyncset.done @!p0 $0x0  }
0x4c: {  	[sflag:s0] =	ssyncadd.s32 @!p0 s1  }
0x4d: {  	[bflag:$0x3] =	sbarrier.arrive $0xFFFF  }
0x4e: {  	_ =	shalt  }

// kernel: sparse-core-data-format-call.1.cloned.1.call-start
scs
called_computation.1_lowered:
.L_overlay_start_0:
0x0: {  	s2 =	sld [smem:$0x3FD9]  }
0x1: {  	s3 =	sld [smem:$0x3FFE];
	_ =	sdelay $0x1  }
0x2: {  	s1 =	srdreg.scid  }
0x3: {  	s0 =	sand.u32 $0x1, s1  }
0x4: {  	s18 =	sshll.u32 s0, $0xA;
	s2 =	sadd.s32 s3, s2  }
0x5: {  	s2 =	sadd.s32 s2, s18  }
0x6: {  	[smem:$0x3FC2] =	sst s2  }
0x7: {  	_ = 	snop  }
0x8: {  	s2 =	sld [smem:$0x3FD0];
	(tm) =	ssettm $0x1  }
0x9: {  	s19 =	sld [smem:$0x3FFB];
	_ =	sdelay $0x3  }
0xa: {  	_ =	strace s19  }
0xb: {  	s3 =	sld [smem:$0x3FFC];
	_ =	sdelay $0x3  }
0xc: {  	_ =	strace s3  }
0xd: {  	s3 =	sld [smem:$0x3FFD];
	_ =	sdelay $0x3  }
0xe: {  	_ =	strace s3  }
0xf: {  	_ =	strace $0x8FFFFFFF  }
0x10: {  	s20 =	sld [smem:$0x3FDB];
	_ =	sdelay $0x1  }
0x11: {  	s4 =	simm.s32 $_scs_section_size  }
0x12: {  	s5 =	simm.s32 $_size__tile_overlayer_lowered;
	s6 =	simm.s32 $_tile_overlayer_lowered  }
0x13: {  	s23 =	simm.s32 $0x1BFF;
	s22 =	sshll.u32 s6, $0x1;
	s3 =	sadd.s32 s4, s20  }
0x14: {  	s7 =	simm.s32 $0x0;
	s21 =	sshll.u32 s5, $0x1;
	s5 =	sadd.s32 s22, s3  }
0x15: {  	[timem:s7], [sflag:s23] =	dma.local [hbm:s5], s21  }
0x16: {  	_ =	swait.ge [sflag:s23], s21  }
0x17: {  	s4 =	ssub.s32 $0x0, s21;
	[sflag:s23] =	ssyncset.done $0x0  }
0x18: {  	[sflag:s23] =	ssyncadd.s32 s4;
	_ =	sdelay $0x1  }
0x19: {  	s24 =	simm.s32 $0x1B8B  }
0x1a: {  	_ =	swait.ge [sflag:s24], $0x1  }
0x1b: {  	[sflag:s24] =	ssyncset.done $0x0  }
0x1c: {  	s26 =	simm.s32 $0x1B8E;
	s25 =	sld [smem:$0x3FFE];
	[sflag:s24] =	ssyncadd.s32 $0xFFFFFFFF  }
0x1d: {  	s27 =	simm.s32 $execute0_lowered;
	[smem:$0x3FD2] =	sst s26  }
0x1e: {  	s5 =	sshll.u32 s27, $0x1;
	_ =	strace $0x80000049;
	[dreg:$0x1] =	wrdreg $0xFFFFFFFF  }
0x1f: {  	s28 =	simm.s32 $_size_execute0_lowered;
	s3 =	sadd.s32 s3, s5;
	[dreg:$0x0] =	wrdreg $0x0  }
0x20: {  	s5 =	sshll.u32 s28, $0x1;
	[dreg:$0x2] =	wrdreg s3  }
0x21: {  	[dreg:$0x3] =	wrdreg s5  }
0x22: {  	[dreg:$0x4] =	wrdreg $0xC0  }
0x23: {  	_ =	task [dreg:s7], $0x5FFFF  }
0x24: {  	[dreg:$0x1] =	wrdreg $0xFFFFFFFF  }
0x25: {  	[dreg:$0x0] =	wrdreg $0x60  }
0x26: {  	[dreg:$0x2] =	wrdreg s25  }
0x27: {  	[dreg:$0x3] =	wrdreg s2  }
0x28: {  	[dreg:$0x4] =	wrdreg $0x9  }
0x29: {  	_ =	task.clear_ibuf [dreg:s7], $0x5FFFF;
	_ =	strace $0x90000049  }
0x2a: {  	s29 =	simm.s32 $0x9;
	_ =	strace $0x8000004B  }
0x2b: {  	_ =	swait.ge [sflag:s29], $0x1  }
0x2c: {  	[sflag:s29] =	ssyncadd.s32 $0xFFFFFFFF  }
0x2d: {  	_ =	strace $0x9000004B  }
0x2e: {  	_ =	sfence  }
0x2f: {  	s30 =	sld [smem:$0x0];
	_ =	sdelay $0x2  }
0x30: {  	s31 =	sshll.u32 s1, $0xD;
	s1 =	sshrl.u32 s1, $0x2  }
0x31: {  	s3 =	sand.u32 $0x4000, s31;
	s1 =	sadd.s32 s1, s30  }
0x32: {  	s0 =	sor.u32 s3, s0;
	s1 =	sshll.u32 s1, $0x11  }
0x33: {  	s0 =	sor.u32 s1, s0  }
0x34: {  	s0 =	sadd.s32 $0x8F2B, s0  }
0x35: {  	[sflag:s0] =	ssyncadd.remote.s32 $0x1  }
0x36: {  	_ =	sfence.sel $0xFFFF  }
0x37: {  	[dreg:$0x0] =	wrdreg $0xFFFFFFFF;
	(pc) =	sbr.abs _section_cstart, $3  }
0x38: {  	[dreg:$0x1] =	wrdreg $0xFFFFFFFF  }
0x39: {  	_ =	task.clear_ibuf [dreg:s7], $0x2FFFF;
	_ =	strace $0x9FFFFFFF  }
0x3a: {  	(tm) =	ssettm $0x7FFFFFFF  }
0x3b: {  	_ =	shalt  }
tec
execute0_lowered:
.L_overlay_start_1:
0x0: {  	(tag) =	ssettag $0x1  }
0x1: {  	s3 =	rddreg [dreg:$0x0]  }
0x2: {  	s2 =	rddreg [dreg:$0x1];
	s1 =	stileid.u32  }
0x3: {  	s4 =	srdreg.scid;
	s0 =	rddreg [dreg:$0x2];
	_ =	strace $0x8000004A  }
0x4: {  	s7 =	simm.s32 $0x2;
	s13 =	simm.s32 $0x0;
	p0 =	por $0x0, $0x0  }
0x5: {  	s9 =	simm.s32 $0x68C00;
	s5 =	sshll.u32 s1, $0x5;
	s4 =	sshll.u32 s4, $0x9  }
.Ltmp0:
0x6: {  	s14 =	simm.s32 $0x0;
	s4 =	sor.u32 s5, s4;
	(pc) =	sbr.rel .LBB1_1-.Ltmp0, $4  }
0x7: {  	s12 =	simm.s32 $0x0;
	s5 =	simm.s32 $0x1;
	s4 =	sand.u32 $0x380, s4  }
0x8: {  	s3 =	sadd.s32 $0x1200, s3;
	[sflag:s5] =	ssyncpa.u1 $0x0;
	s8 =	ssub.s32 $0xD100, s4  }
0x9: {  	s6 =	sand.u32 $0x3, s1;
	[sflag:s7] =	ssyncpa.u1 $0x0;
	s7 =	sshrl.u32 s8, $0xA  }
0xa: {  	s11 =	smov.u32 s6;
	s10 =	smov.u32 s4;
	s8 =	sadd.s32 $0x2, s7  }
.LBB1_5:
0xb: {  	s15 =	sadd.s32 $0x400, s10  }
0xc: {  	s13 =	sadd.s32 $0x4, s11;
	s17 =	smov.u32 s11;
	p2 =	sgt.s32 s15, $0xD13F  }
0xd: {  	s17 =	smov.u32 @p2 s13  }
0xe: {  	s15 =	smov.u32 @p2 s4;
	p2 =	sgt.s32 s17, $0x3  }
0xf: {  	s17 =	smov.u32 @p2 s6;
	p2 =	sne.s32 s12, s8  }
.Ltmp1:
0x10: {  	p1 =	slt.u32 s12, $0x2;
	(pc) =	sbr.rel @!p2 .LBB1_6-.Ltmp1, $4  }
0x11: {  	s16 =	simm.s32 @!p1 $0x2  }
0x12: {  	s14 =	smov.u32 s11;
	p0 =	por !p0, !p0;
	_ =	swait.ge @!p1 [sflag:s16], $0x2000  }
0x13: {  	s13 =	smov.u32 s10;
	[sflag:s16] =	ssyncset.done @!p1 $0x0;
	s10 =	smov.u32 s15  }
0x14: {  	s12 =	sadd.s32 $0x1, s12;
	[sflag:s16] =	ssyncadd.s32 @!p1 $0xFFFFE000;
	s11 =	smov.u32 s17  }
.LBB1_1:
0x15: {  	p1 =	sgt.u32 s12, s7  }
0x16: {  	s17 =	smov.u32 s11;
	s19 =	smov.u32 s10;
	p2 =	sgt.s32 @!p1 s11, $0x3  }
0x17: {  	s15 =	sand.u32 @!p1 $0x1FFFFFF, s10;
	s18 =	sshra.s32 @!p1 s11, $0x1F;
	p2 =	por !p2, p1  }
0x18: {  	s20 =	sshra.s32 @!p1 s10, $0x1F;
	s17 =	simm.s32 @p2 $0x3;
	p2 =	sgt.s32 @!p1 s10, $0xD0C0  }
0x19: {  	s16 =	smulhi.u32 @!p1 $0x13931DB, s15;
	s18 =	sand.u32 @!p1 s18, s11;
	p2 =	por !p2, p1  }
0x1a: {  	s17 =	ssub.s32 @!p1 s17, s18;
	s18 =	sand.u32 @!p1 s20, s10;
	s19 =	simm.s32 @p2 $0xD0C0  }
0x1b: {  	s17 =	sadd.s32 @!p1 $0xFFFFFFFD, s17;
	s18 =	ssub.s32 @!p1 s19, s18  }
0x1c: {  	s16 =	sshrl.u32 @!p1 s16, $0x8;
	p2 =	sgt.s32 @!p1 s17, $0x0;
	s19 =	sadd.s32 @!p1 $0xFFFF2F40, s18  }
0x1d: {  	s17 =	sshll.u32 @!p1 s17, $0x6;
	s18 =	ssub.s32 @!p1 $0xD140, s18;
	p3 =	sgt.s32 @!p1 s19, $0x7F  }
0x1e: {  	s17 =	ssub.s32 @!p1 $0x40, s17;
	p2 =	por !p2, p1;
	p3 =	por !p3, p1  }
0x1f: {  	s16 =	smul.u32 @!p1 $0xD140, s16;
	s17 =	simm.s32 @!p2 $0x0;
	s18 =	simm.s32 @!p3 $0x0  }
0x20: {  	s19 =	sxor.u32 @!p1 $0xFFFFFFFF, s12;
	s17 =	smul.u32 @!p1 s18, s17  }
0x21: {  	s15 =	ssub.s32 @!p1 s15, s16;
	s18 =	sshll.u32 @!p1 s19, $0xD;
	s19 =	smul.u32 @!p1 $0xD1400, s11  }
0x22: {  	s15 =	sshll.u32 @!p1 s15, $0x4  }
0x23: {  	s18 =	sand.u32 @!p1 $0x2000, s18;
	s16 =	sand.u32 @!p1 $0x3FFFFFC0, s17;
	s17 =	sadd.s32 @!p1 s3, s19  }
0x24: {  	s19 =	simm.s32 @!p1 $0x80;
	s15 =	sadd.s32 @!p1 s15, s17;
	s17 =	simm.s32 @!p1 $0x40  }
0x25: {  	[tilespmem:s18], [sflag:$0x1] =	stream.strided.gather @!p1 [hbm4b:s15+s17], s16, s19, s17, $0x38;
	[tilespmem:$0x8080] =	vst v63  }
0x26: {  	p1 =	seq.s32 s12, $0x0  }
0x27: {  	p2 =	sge.u32 @!p1 s12, s8  }
0x28: {  	p1 =	por p1, p2  }
.Ltmp2:
0x29: {  	_ = 	snop;
	(pc) =	sbr.rel @p1 .LBB1_5-.Ltmp2, $1  }
0x2a: {  	_ =	sdelay $0x3  }
0x2b: {  	p1 =	sgt.s32 s14, $0x3;
	s15 =	smov.u32 s14  }
0x2c: {  	s16 =	sshra.s32 s14, $0x1F;
	s17 =	smov.u32 s13;
	s18 =	sshra.s32 s13, $0x1F  }
0x2d: {  	s15 =	simm.s32 @!p1 $0x3;
	s16 =	sand.u32 s16, s14;
	p1 =	sgt.s32 s13, $0xD0C0  }
0x2e: {  	s27 =	sand.u32 s18, s13;
	s15 =	ssub.s32 s15, s16;
	s17 =	simm.s32 @!p1 $0xD0C0  }
0x2f: {  	s15 =	sadd.s32 $0xFFFFFFFD, s15;
	s16 =	ssub.s32 s17, s27  }
0x30: {  	p1 =	sgt.s32 s15, $0x0;
	s17 =	sadd.s32 $0xFFFF2F40, s16;
	s15 =	sshll.u32 s15, $0x6  }
0x31: {  	s16 =	ssub.s32 $0xD140, s16;
	p2 =	sgt.s32 s17, $0x7F;
	s15 =	ssub.s32 $0x40, s15  }
0x32: {  	s16 =	simm.s32 @p2 $0x0;
	s15 =	simm.s32 @p1 $0x0  }
0x33: {  	s15 =	smul.u32 s16, s15;
	_ =	sdelay $0x1  }
0x34: {  	s16 =	simm.s32 $0x1;
	s15 =	sand.u32 $0x3FFFFFC0, s15  }
0x35: {  	s16 =	simm.s32 @!p0 $0x0;
	_ =	swait.ge [sflag:s5], s15  }
0x36: {  	s28 =	sshll.u32 s16, $0xD;
	s15 =	ssub.s32 $0x0, s15;
	[sflag:s5] =	ssyncset.done $0x0  }
0x37: {  	s19 =	sor.u32 $0x20, s28;
	[sflag:s5] =	ssyncadd.s32 s15  }
0x38: {  	s29 =	smul.u32 $0x8100, s16;
	v3 =	vld [tilespmem:s19+$0x10]  }
0x39: {  	s30 =	sand.u32 $0x1, s12;
	v2 =	vld [tilespmem:s19+$0xFFFFFFF0]  }
0x3a: {  	s16 =	smul.u32 $0x8100, s30;
	s15 =	sshrl.u32 s29, $0x2;
	v0 =	vld [tilespmem:s19+$0x0]  }
0x3b: {  	s17 =	sor.u32 $0x4000, s15;
	v1 =	vld [tilespmem:s19+$0xFFFFFFE0]  }
0x3c: {  	s31 =	sshrl.u32 s16, $0x2;
	s16 =	sadd.s32 $0x0, s17  }
0x3d: {  	s18 =	simm.s32 $0x4;
	s15 =	sor.u32 $0x4000, s31;
	s19 =	sadd.s32 $0x40, s19;
	[tilespmem:s16+$0x1830 ss:$0x81] =	vst.msk $0xffff, v3  }
.LBB1_3:
0x3e: {  	v3 =	vld [tilespmem:s19+$0x10];
	p1 =	sne.s32 s18, $0x1FC;
	[tilespmem:s16+$0x810 ss:$0x81] =	vst.msk $0xffff, v2;
	s20 =	smov.u32 s18;
	s18 =	sadd.s32 $0x4, s18  }
.Ltmp3:
0x3f: {  	v2 =	vld [tilespmem:s19+$0xFFFFFFF0];
	[tilespmem:s16+$0x1020 ss:$0x81] =	vst.msk $0xffff, v0;
	(pc) =	sbr.rel @p1 .LBB1_3-.Ltmp3, $4  }
0x40: {  	v0 =	vld [tilespmem:s19+$0x0];
	[tilespmem:s16+$0x0 ss:$0x81] =	vst.msk $0xffff, v1  }
0x41: {  	s16 =	sshra.s32 s20, $0x2;
	v1 =	vld [tilespmem:s19+$0xFFFFFFE0]  }
0x42: {  	s16 =	sadd.s32 s16, s17  }
0x43: {  	s19 =	sadd.s32 $0x40, s19;
	[tilespmem:s16+$0x1830 ss:$0x81] =	vst.msk $0xffff, v3  }
0x44: {  	s17 =	sshll.u32 s13, $0x3  }
0x45: {  	s17 =	sand.u32 $0xFFFFFC00, s17  }
0x46: {  	s18 =	sshrl.u32 s17, $0x7  }
0x47: {  	s18 =	smulhi.u32 $0x271A45B, s18;
	_ =	sdelay $0x1  }
0x48: {  	s14 =	smul.u32 $0x68C00, s14;
	s18 =	sshrl.u32 s18, $0x2  }
0x49: {  	s27 =	sand.u32 $0x7F, s13;
	s19 =	smul.u32 $0xD180, s18;
	s28 =	sand.u32 $0x3F, s18  }
0x4a: {  	s13 =	sor.u32 s27, s17;
	s17 =	smul.u32 $0x1A30, s28  }
.Ltmp4:
0x4b: {  	s13 =	ssub.s32 s13, s19;
	(pc) =	sbr.rel .LBB1_5-.Ltmp4, $4  }
0x4c: {  	[tilespmem:s16+$0x810 ss:$0x81] =	vst.msk $0xffff, v2;
	s14 =	sadd.s32 s2, s14;
	s29 =	sand.u32 $0x7, s13  }
0x4d: {  	[tilespmem:s16+$0x1020 ss:$0x81] =	vst.msk $0xffff, v0;
	s14 =	sadd.s32 s17, s14;
	s13 =	sshrl.u32 s13, $0x3;
	s30 =	sshll.u32 s29, $0x12  }
0x4e: {  	[tilespmem:s16+$0x0 ss:$0x81] =	vst.msk $0xffff, v1;
	s13 =	sadd.s32 s13, s14;
	s31 =	sor.u32 $0x400, s30  }
0x4f: {  	[hbm4b:s13+s31] =	stream.strided.scatter [tilespmem:s15], [sflag:$0x2], $0x2000, s9, s31, $0x20;
	[tilespmem:$0x8080] =	vst v63  }
.LBB1_6:
0x50: {  	_ =	sfence.sel $0x180000  }
0x51: {  	s2 =	simm.s32 $0x1;
	[bflag:$0x0] =	sbarrier.arrive $0xFFFF  }
0x52: {  	s31 =	simm.s32 $0x2;
	[sflag:s2] =	ssyncpa.u1 $0x1  }
0x53: {  	[sflag:s31] =	ssyncpa.u1 $0x1  }
0x54: {  	p0 =	sne.s32 s1, $0x0;
	_ =	strace $0x9000004A  }
0x55: {  	s0 =	sadd.s32 @!p0 $0x100000, s0;
	[bflag:$0x2] =	sbarrier.arrive $0xFFFF  }
0x56: {  	[sflag:s0] =	ssyncadd.tile.s32 @!p0 $0x1;
	_ =	shalt  }
.Lfunc_end1:
_tile_overlayer_lowered:
.L_overlay_start_2:
0x57: {  	(tag) =	ssettag $0x2  }
0x58: {  	s0 =	rddreg [dreg:$0x0];
	s2 =	stileid.u32  }
0x59: {  	s1 =	rddreg [dreg:$0x1];
	p0 =	sne.s32 s2, $0x0  }
0x5a: {  	s3 =	rddreg [dreg:$0x2];
	[bflag:$0x3] =	sbarrier.arrive $0xFFFF;
	s2 =	simm.s32 @!p0 $0x1C01  }
0x5b: {  	[timem:s3], [sflag:s2] =	dma.local @!p0 [hbm:s0], s1  }
0x5c: {  	s0 =	simm.s32 @!p0 $0x1  }
0x5d: {  	_ =	swait.ge @!p0 [sflag:s0], s1  }
0x5e: {  	s1 =	ssub.s32 @!p0 $0x0, s1;
	[sflag:s0] =	ssyncset.done @!p0 $0x0  }
0x5f: {  	[sflag:s0] =	ssyncadd.s32 @!p0 s1  }
0x60: {  	[bflag:$0x3] =	sbarrier.arrive $0xFFFF  }
0x61: {  	_ =	shalt  }

// kernel: sparse-core-data-format-call.cloned.1.call-start
scs
called_computation_lowered:
.L_overlay_start_0:
0x0: {  	s2 =	sld [smem:$0x3FD9]  }
0x1: {  	s3 =	sld [smem:$0x3FFE];
	_ =	sdelay $0x1  }
0x2: {  	s1 =	srdreg.scid  }
0x3: {  	s0 =	sand.u32 $0x1, s1  }
0x4: {  	s18 =	sshll.u32 s0, $0xA;
	s2 =	sadd.s32 s3, s2  }
0x5: {  	s2 =	sadd.s32 s2, s18  }
0x6: {  	[smem:$0x3FC2] =	sst s2  }
0x7: {  	_ = 	snop  }
0x8: {  	s2 =	sld [smem:$0x3FD0];
	(tm) =	ssettm $0x1  }
0x9: {  	s19 =	sld [smem:$0x3FFB];
	_ =	sdelay $0x3  }
0xa: {  	_ =	strace s19  }
0xb: {  	s3 =	sld [smem:$0x3FFC];
	_ =	sdelay $0x3  }
0xc: {  	_ =	strace s3  }
0xd: {  	s3 =	sld [smem:$0x3FFD];
	_ =	sdelay $0x3  }
0xe: {  	_ =	strace s3  }
0xf: {  	_ =	strace $0x8FFFFFFF  }
0x10: {  	s20 =	sld [smem:$0x3FDB];
	_ =	sdelay $0x1  }
0x11: {  	s4 =	simm.s32 $_scs_section_size  }
0x12: {  	s5 =	simm.s32 $_size__tile_overlayer_lowered;
	s6 =	simm.s32 $_tile_overlayer_lowered  }
0x13: {  	s23 =	simm.s32 $0x1BFF;
	s22 =	sshll.u32 s6, $0x1;
	s3 =	sadd.s32 s4, s20  }
0x14: {  	s7 =	simm.s32 $0x0;
	s21 =	sshll.u32 s5, $0x1;
	s5 =	sadd.s32 s22, s3  }
0x15: {  	[timem:s7], [sflag:s23] =	dma.local [hbm:s5], s21  }
0x16: {  	_ =	swait.ge [sflag:s23], s21  }
0x17: {  	s4 =	ssub.s32 $0x0, s21;
	[sflag:s23] =	ssyncset.done $0x0  }
0x18: {  	[sflag:s23] =	ssyncadd.s32 s4;
	_ =	sdelay $0x1  }
0x19: {  	s24 =	simm.s32 $0x1B8B  }
0x1a: {  	_ =	swait.ge [sflag:s24], $0x1  }
0x1b: {  	[sflag:s24] =	ssyncset.done $0x0  }
0x1c: {  	s26 =	simm.s32 $0x1B8E;
	s25 =	sld [smem:$0x3FFE];
	[sflag:s24] =	ssyncadd.s32 $0xFFFFFFFF  }
0x1d: {  	s27 =	simm.s32 $execute0_lowered;
	[smem:$0x3FD2] =	sst s26  }
0x1e: {  	s5 =	sshll.u32 s27, $0x1;
	_ =	strace $0x8000004C;
	[dreg:$0x1] =	wrdreg $0xFFFFFFFF  }
0x1f: {  	s28 =	simm.s32 $_size_execute0_lowered;
	s3 =	sadd.s32 s3, s5;
	[dreg:$0x0] =	wrdreg $0x0  }
0x20: {  	s5 =	sshll.u32 s28, $0x1;
	[dreg:$0x2] =	wrdreg s3  }
0x21: {  	[dreg:$0x3] =	wrdreg s5  }
0x22: {  	[dreg:$0x4] =	wrdreg $0xC0  }
0x23: {  	_ =	task [dreg:s7], $0x5FFFF  }
0x24: {  	[dreg:$0x1] =	wrdreg $0xFFFFFFFF  }
0x25: {  	[dreg:$0x0] =	wrdreg $0x60  }
0x26: {  	[dreg:$0x2] =	wrdreg s25  }
0x27: {  	[dreg:$0x3] =	wrdreg s2  }
0x28: {  	[dreg:$0x4] =	wrdreg $0x9  }
0x29: {  	_ =	task.clear_ibuf [dreg:s7], $0x5FFFF;
	_ =	strace $0x9000004C  }
0x2a: {  	s29 =	simm.s32 $0x9;
	_ =	strace $0x8000004E  }
0x2b: {  	_ =	swait.ge [sflag:s29], $0x1  }
0x2c: {  	[sflag:s29] =	ssyncadd.s32 $0xFFFFFFFF  }
0x2d: {  	_ =	strace $0x9000004E  }
0x2e: {  	_ =	sfence  }
0x2f: {  	s30 =	sld [smem:$0x0];
	_ =	sdelay $0x2  }
0x30: {  	s31 =	sshll.u32 s1, $0xD;
	s1 =	sshrl.u32 s1, $0x2  }
0x31: {  	s3 =	sand.u32 $0x4000, s31;
	s1 =	sadd.s32 s1, s30  }
0x32: {  	s0 =	sor.u32 s3, s0;
	s1 =	sshll.u32 s1, $0x11  }
0x33: {  	s0 =	sor.u32 s1, s0  }
0x34: {  	s0 =	sadd.s32 $0x8F2B, s0  }
0x35: {  	[sflag:s0] =	ssyncadd.remote.s32 $0x1  }
0x36: {  	_ =	sfence.sel $0xFFFF  }
0x37: {  	[dreg:$0x0] =	wrdreg $0xFFFFFFFF;
	(pc) =	sbr.abs _section_cstart, $3  }
0x38: {  	[dreg:$0x1] =	wrdreg $0xFFFFFFFF  }
0x39: {  	_ =	task.clear_ibuf [dreg:s7], $0x2FFFF;
	_ =	strace $0x9FFFFFFF  }
0x3a: {  	(tm) =	ssettm $0x7FFFFFFF  }
0x3b: {  	_ =	shalt  }
tec
execute0_lowered:
.L_overlay_start_1:
0x0: {  	(tag) =	ssettag $0x1  }
0x1: {  	s0 =	rddreg [dreg:$0x0];
	s1 =	srdreg.scid  }
0x2: {  	_ =	strace $0x8000004D;
	s2 =	stileid.u32;
	s30 =	simm.s32 $0x1  }
0x3: {  	s31 =	simm.s32 $0x2;
	s21 =	simm.s32 $0x0;
	s10 =	simm.s32 $0x800  }
0x4: {  	s20 =	simm.s32 $0x0;
	s22 =	simm.s32 $0x0;
	s23 =	simm.s32 $0x0  }
0x5: {  	s11 =	simm.s32 $0x0;
	s12 =	simm.s32 $0x0;
	s14 =	simm.s32 $0x0  }
0x6: {  	s16 =	simm.s32 $0x0;
	s15 =	simm.s32 $0x0;
	s17 =	simm.s32 $0x0  }
.Ltmp0:
0x7: {  	s0 =	sadd.s32 $0x1200, s0;
	s29 =	sshll.u32 s1, $0x4;
	(pc) =	sbr.rel .LBB1_1-.Ltmp0, $4  }
0x8: {  	s13 =	simm.s32 $0x0;
	[dreg:$0x3] =	wrdreg s0;
	s0 =	sand.u32 $0x10, s29  }
0x9: {  	[sflag:s30] =	ssyncpa.u1 $0x0;
	s8 =	sand.u32 $0x3, s2;
	s0 =	sor.u32 s2, s0  }
0xa: {  	[sflag:s31] =	ssyncpa.u1 $0x0;
	[dreg:$0x4] =	wrdreg s8;
	s9 =	sshrl.u32 s0, $0x2  }
0xb: {  	s19 =	smov.u32 s8;
	s18 =	smov.u32 s9;
	[dreg:$0x5] =	wrdreg s9  }
.LBB1_18:
0xc: {  	s11 =	rddreg [dreg:$0x6]  }
0xd: {  	s12 =	rddreg [dreg:$0x7]  }
0xe: {  	s4 =	rddreg [dreg:$0x14]  }
0xf: {  	s5 =	rddreg [dreg:$0x15]  }
0x10: {  	s23 =	rddreg [dreg:$0x13]  }
0x11: {  	s16 =	rddreg [dreg:$0xb]  }
0x12: {  	s14 =	rddreg [dreg:$0x9]  }
0x13: {  	s27 =	rddreg [dreg:$0x1]  }
0x14: {  	s30 =	rddreg [dreg:$0x16]  }
0x15: {  	s8 =	rddreg [dreg:$0x4]  }
0x16: {  	s9 =	rddreg [dreg:$0x5]  }
0x17: {  	s13 =	rddreg [dreg:$0x8]  }
0x18: {  	s15 =	rddreg [dreg:$0xa]  }
0x19: {  	s17 =	rddreg [dreg:$0xc]  }
0x1a: {  	s18 =	rddreg [dreg:$0xd]  }
0x1b: {  	s19 =	rddreg [dreg:$0xe]  }
0x1c: {  	s10 =	simm.s32 $0x800;
	s20 =	rddreg [dreg:$0xf];
	s0 =	sshll.u32 s11, $0x8  }
0x1d: {  	s1 =	sshll.u32 s12, $0x3;
	s2 =	sshll.u32 s11, $0x7;
	p0 =	sgt.s32 s12, $0x80  }
0x1e: {  	s3 =	smov.u32 s12;
	s24 =	sand.u32 $0x78, s12;
	s25 =	smul.u32 $0x6C000, s16  }
0x1f: {  	s26 =	smul.u32 $0x1B00, s14;
	s28 =	sand.u32 $0x7, s12;
	s0 =	sand.u32 $0xFFFFF800, s0  }
0x20: {  	s1 =	sand.u32 $0xFFFFFC00, s1;
	s21 =	sand.u32 $0x300, s2;
	s3 =	simm.s32 @!p0 $0x80  }
0x21: {  	p0 =	sgt.s32 s11, $0x58;
	s2 =	sand.u32 $0x80, s2;
	s29 =	sshll.u32 s28, $0x12  }
0x22: {  	s0 =	sadd.s32 s1, s0;
	s1 =	smov.u32 s11;
	s3 =	sadd.s32 s4, s3  }
0x23: {  	s2 =	sor.u32 s24, s2;
	s31 =	sor.u32 $0x400, s29;
	s0 =	sor.u32 s21, s0  }
0x24: {  	s1 =	simm.s32 @!p0 $0x58;
	s4 =	sadd.s32 $0xFFFFFF80, s3;
	s0 =	sshrl.u32 s0, $0x8  }
0x25: {  	s3 =	ssub.s32 $0x100, s3;
	s2 =	sshrl.u32 s2, $0x3;
	s22 =	smulhi.u32 $0x12F684C, s0  }
0x26: {  	s21 =	rddreg [dreg:$0x10];
	s1 =	sadd.s32 s5, s1;
	p0 =	sgt.s32 s4, $0x7F  }
0x27: {  	s5 =	sadd.s32 $0xFFFFFFA8, s1;
	s3 =	simm.s32 @p0 $0x0;
	s4 =	smul.u32 $0xD8, s22  }
0x28: {  	s1 =	ssub.s32 $0xD8, s1;
	p0 =	sgt.s32 s5, $0x7F;
	s3 =	smul.u32 s23, s3  }
0x29: {  	s1 =	simm.s32 @p0 $0x0;
	s0 =	ssub.s32 s0, s4;
	s4 =	sadd.s32 s27, s25  }
0x2a: {  	s23 =	rddreg [dreg:$0x12];
	s1 =	smul.u32 s1, s3;
	s3 =	sadd.s32 s26, s4  }
0x2b: {  	s22 =	rddreg [dreg:$0x11];
	s0 =	sshll.u32 s0, $0x5;
	s2 =	sadd.s32 s2, s3  }
0x2c: {  	s1 =	sand.u32 $0x3FFFFFFF, s1;
	s4 =	sor.u32 $0x8000, s30;
	s0 =	sadd.s32 s0, s2  }
0x2d: {  	[hbm4b:s0+s31] =	stream.strided.scatter [tilespmem:s4], [sflag:$0x2], s1, s10, s31, $0x20;
	[tilespmem:$0x10100] =	vst v63  }
.LBB1_19:
0x2e: {  	p0 =	slt.u32 s13, $0x2  }
0x2f: {  	s0 =	smov.u32 s23;
	s2 =	smov.u32 s22;
	s5 =	smov.u32 s20  }
0x30: {  	s13 =	sadd.s32 $0x1, s13;
	p1 =	sgt.s32 @!p0 s23, $0x3;
	s1 =	sshra.s32 @!p0 s23, $0x1F  }
0x31: {  	s3 =	sshra.s32 @!p0 s22, $0x1F;
	p3 =	sgt.s32 @!p0 s20, $0x80;
	p1 =	por !p1, p0  }
0x32: {  	s4 =	sshra.s32 @!p0 s20, $0x1F;
	s1 =	sand.u32 @!p0 s1, s23;
	s0 =	simm.s32 @p1 $0x3  }
0x33: {  	s4 =	sand.u32 @!p0 s4, s20;
	p1 =	sgt.s32 @!p0 s22, $0x3F;
	s0 =	ssub.s32 @!p0 s0, s1  }
0x34: {  	s20 =	smov.u32 s12;
	p1 =	por !p1, p0;
	s1 =	sadd.s32 @!p0 $0xFFFFFFFD, s0  }
0x35: {  	s2 =	simm.s32 @p1 $0x3F;
	p2 =	sgt.s32 @!p0 s1, $0x0;
	s1 =	sand.u32 @!p0 s3, s22  }
0x36: {  	s0 =	ssub.s32 @!p0 $0x4, s0;
	p1 =	por !p2, p0;
	s1 =	ssub.s32 @!p0 s2, s1  }
0x37: {  	s3 =	smov.u32 s21;
	s0 =	simm.s32 @!p1 $0x0;
	s2 =	sadd.s32 @!p0 $0xFFFFFFC1, s1  }
0x38: {  	p1 =	sgt.s32 @!p0 s21, $0x58;
	p2 =	sgt.s32 @!p0 s2, $0x0;
	s2 =	sshra.s32 @!p0 s21, $0x1F  }
0x39: {  	s1 =	ssub.s32 @!p0 $0x40, s1;
	p1 =	por !p1, p0;
	s2 =	sand.u32 @!p0 s2, s21  }
0x3a: {  	s3 =	simm.s32 @p1 $0x58;
	p1 =	por !p3, p0;
	p2 =	por !p2, p0  }
0x3b: {  	s5 =	simm.s32 @p1 $0x80;
	s1 =	simm.s32 @!p2 $0x0;
	s2 =	ssub.s32 @!p0 s3, s2  }
0x3c: {  	s3 =	ssub.s32 @!p0 s5, s4;
	s0 =	smul.u32 @!p0 s0, s1;
	s1 =	sadd.s32 @!p0 $0xFFFFFFA8, s2  }
0x3d: {  	s5 =	smov.u32 s17;
	s4 =	sadd.s32 @!p0 $0xFFFFFF80, s3;
	p1 =	sgt.s32 @!p0 s1, $0x7F  }
0x3e: {  	s1 =	ssub.s32 @!p0 $0xD8, s2;
	s2 =	ssub.s32 @!p0 $0x100, s3;
	p2 =	sgt.s32 @!p0 s4, $0x7F  }
0x3f: {  	s3 =	sadd.s32 $0x80, s15;
	s4 =	sadd.s32 $0x80, s17;
	p2 =	por !p2, p0  }
0x40: {  	p1 =	por !p1, p0;
	s2 =	simm.s32 @!p2 $0x0;
	p2 =	sgt.s32 s3, $0xD7  }
0x41: {  	s1 =	simm.s32 @!p1 $0x0;
	s0 =	smul.u32 @!p0 s2, s0;
	s5 =	smov.u32 @p2 s4  }
0x42: {  	s2 =	sadd.s32 $0x8, s18;
	s4 =	smov.u32 s18;
	p1 =	sgt.s32 s5, $0xF7  }
0x43: {  	s3 =	simm.s32 @p2 $0x0;
	s0 =	smul.u32 @!p0 s1, s0;
	s4 =	smov.u32 @p1 s2  }
0x44: {  	s1 =	sadd.s32 $0x4, s19;
	s2 =	smov.u32 s19;
	p2 =	sgt.s32 s4, $0x3F  }
0x45: {  	s23 =	smov.u32 s16;
	s12 =	smov.u32 s17;
	s2 =	smov.u32 @p2 s1  }
0x46: {  	s16 =	smov.u32 s19;
	s5 =	simm.s32 @p1 $0x0;
	p1 =	sgt.s32 s2, $0x3  }
0x47: {  	s22 =	smov.u32 s14;
	s2 =	smov.u32 @p1 s8;
	p1 =	sne.s32 s13, $0x22  }
.Ltmp1:
0x48: {  	s14 =	smov.u32 s18;
	s21 =	smov.u32 s11;
	(pc) =	sbr.rel @!p1 .LBB1_20-.Ltmp1, $4  }
0x49: {  	s11 =	smov.u32 s15;
	s0 =	sand.u32 @!p0 $0x3FFFFFFF, s0;
	s1 =	simm.s32 @!p0 $0x2  }
0x4a: {  	s15 =	smov.u32 s3;
	s17 =	smov.u32 s5;
	_ =	swait.ge @!p0 [sflag:s1], s0  }
0x4b: {  	s4 =	smov.u32 @p2 s9;
	s0 =	ssub.s32 @!p0 $0x0, s0;
	[sflag:s1] =	ssyncset.done @!p0 $0x0  }
0x4c: {  	s18 =	smov.u32 s4;
	[sflag:s1] =	ssyncadd.s32 @!p0 s0;
	s19 =	smov.u32 s2  }
.LBB1_1:
0x4d: {  	p0 =	sgt.u32 s13, $0x1F  }
.Ltmp2:
0x4e: {  	_ = 	snop;
	(pc) =	sbr.rel @p0 .LBB1_3-.Ltmp2, $1  }
0x4f: {  	_ =	sdelay $0x3  }
0x50: {  	s0 =	sand.u32 $0x78, s15;
	s1 =	sshll.u32 s17, $0x8  }
0x51: {  	s2 =	sshll.u32 s15, $0x3;
	s3 =	sshll.u32 s17, $0x7;
	p0 =	sgt.s32 s19, $0x3  }
0x52: {  	s26 =	sshra.s32 s19, $0x1F;
	s4 =	smov.u32 s18;
	s5 =	sshra.s32 s18, $0x1F  }
0x53: {  	s29 =	sshra.s32 s17, $0x1F;
	s31 =	sshra.s32 s15, $0x1F;
	s1 =	sand.u32 $0xFFFFF800, s1  }
0x54: {  	s2 =	sand.u32 $0xFFFFFC00, s2;
	s25 =	sand.u32 $0x300, s3;
	s3 =	sand.u32 $0x80, s3  }
0x55: {  	s27 =	sand.u32 s5, s18;
	s30 =	sand.u32 s29, s17;
	s29 =	sand.u32 $0x7, s15  }
0x56: {  	s1 =	sadd.s32 s1, s2;
	s0 =	sor.u32 s0, s3;
	s2 =	smov.u32 s19  }
0x57: {  	s3 =	sand.u32 s26, s19;
	s26 =	smul.u32 $0x1F00, s18;
	s1 =	sor.u32 s25, s1  }
0x58: {  	s2 =	simm.s32 @!p0 $0x3;
	p0 =	sgt.s32 s18, $0x3F;
	s25 =	smul.u32 $0x7C000, s19  }
0x59: {  	s0 =	sshrl.u32 s0, $0x3;
	s1 =	sshrl.u32 s1, $0x8;
	s2 =	ssub.s32 s2, s3  }
0x5a: {  	s4 =	simm.s32 @!p0 $0x3F;
	s28 =	smulhi.u32 $0x1084211, s1;
	s6 =	sadd.s32 $0xFFFFFFFD, s2  }
0x5b: {  	s3 =	ssub.s32 s4, s27;
	s2 =	ssub.s32 $0x4, s2;
	p0 =	sgt.s32 s6, $0x0  }
0x5c: {  	s4 =	sadd.s32 $0xFFFFFFC1, s3;
	s3 =	ssub.s32 $0x40, s3;
	s6 =	sand.u32 s31, s15  }
0x5d: {  	s2 =	simm.s32 @p0 $0x0;
	p0 =	sgt.s32 s4, $0x0;
	s4 =	smov.u32 s17  }
0x5e: {  	s5 =	smul.u32 $0xF8, s28;
	s3 =	simm.s32 @p0 $0x0;
	p0 =	sgt.s32 s17, $0x78  }
0x5f: {  	s28 =	rddreg [dreg:$0x3];
	s2 =	smul.u32 s2, s3;
	s4 =	simm.s32 @!p0 $0x78  }
0x60: {  	p0 =	sgt.s32 s15, $0x80;
	s3 =	ssub.s32 s4, s30;
	s4 =	smov.u32 s15  }
0x61: {  	s1 =	ssub.s32 s1, s5;
	s7 =	sadd.s32 $0xFFFFFF88, s3;
	s4 =	simm.s32 @!p0 $0x80  }
0x62: {  	s3 =	ssub.s32 $0xF8, s3;
	p0 =	sgt.s32 s7, $0x7F;
	s4 =	ssub.s32 s4, s6  }
0x63: {  	s1 =	sshll.u32 s1, $0x5;
	s3 =	simm.s32 @p0 $0x0;
	s24 =	sadd.s32 $0xFFFFFF80, s4  }
0x64: {  	s2 =	smul.u32 s3, s2;
	p0 =	sgt.s32 s24, $0x7F;
	s3 =	ssub.s32 $0x100, s4  }
0x65: {  	s30 =	sshll.u32 s29, $0x12;
	s4 =	sadd.s32 s28, s25;
	s3 =	simm.s32 @p0 $0x0  }
0x66: {  	s7 =	sxor.u32 $0xFFFFFFFF, s13;
	s4 =	sadd.s32 s26, s4;
	s2 =	smul.u32 s3, s2  }
0x67: {  	s31 =	sor.u32 $0x400, s30;
	s6 =	sshll.u32 s7, $0xE;
	s0 =	sadd.s32 s0, s4  }
0x68: {  	s27 =	sand.u32 $0x4000, s6;
	s0 =	sadd.s32 s1, s0;
	s2 =	sand.u32 $0x3FFFFFFF, s2  }
0x69: {  	[tilespmem:s27], [sflag:$0x1] =	stream.strided.gather [hbm4b:s0+s31], s2, s10, s31, $0x38;
	[tilespmem:$0x10100] =	vst v63  }
.LBB1_3:
0x6a: {  	p0 =	seq.s32 s13, $0x0  }
0x6b: {  	p1 =	seq.s32 @!p0 s13, $0x21  }
0x6c: {  	p0 =	por p0, p1  }
.Ltmp3:
0x6d: {  	_ = 	snop;
	(pc) =	sbr.rel @p0 .LBB1_19-.Ltmp3, $1  }
0x6e: {  	_ =	sdelay $0x3  }
0x6f: {  	[dreg:$0x12] =	wrdreg s23  }
0x70: {  	[dreg:$0x11] =	wrdreg s22  }
0x71: {  	[dreg:$0x10] =	wrdreg s21  }
0x72: {  	[dreg:$0xf] =	wrdreg s20  }
0x73: {  	[dreg:$0xe] =	wrdreg s19  }
0x74: {  	[dreg:$0xd] =	wrdreg s18  }
0x75: {  	[dreg:$0xc] =	wrdreg s17  }
0x76: {  	[dreg:$0xa] =	wrdreg s15;
	p0 =	sgt.s32 s16, $0x3;
	s0 =	smov.u32 s16  }
0x77: {  	s1 =	sshra.s32 s16, $0x1F;
	s2 =	sshra.s32 s14, $0x1F;
	s19 =	ssub.s32 $0x0, s12  }
0x78: {  	s20 =	sshra.s32 s12, $0x1F;
	p1 =	sgt.s32 s12, $0x78;
	s4 =	smov.u32 s12  }
0x79: {  	s23 =	ssub.s32 $0x0, s11;
	s24 =	sshra.s32 s11, $0x1F;
	s0 =	simm.s32 @!p0 $0x3  }
0x7a: {  	s1 =	sand.u32 s1, s16;
	p0 =	sgt.s32 s14, $0x3F;
	s2 =	sand.u32 s2, s14  }
0x7b: {  	s4 =	simm.s32 @!p1 $0x78;
	s0 =	ssub.s32 s0, s1;
	s1 =	smov.u32 s14  }
0x7c: {  	s3 =	sadd.s32 $0xFFFFFFFD, s0;
	s1 =	simm.s32 @!p0 $0x3F;
	s0 =	ssub.s32 $0x4, s0  }
0x7d: {  	p0 =	sgt.s32 s3, $0x0;
	s1 =	ssub.s32 s1, s2;
	s2 =	sand.u32 s19, s20  }
0x7e: {  	s3 =	smov.u32 s11;
	s5 =	sadd.s32 $0xFFFFFFC1, s1;
	s1 =	ssub.s32 $0x40, s1  }
0x7f: {  	[dreg:$0x14] =	wrdreg s2;
	s2 =	sadd.s32 s2, s4;
	s0 =	simm.s32 @p0 $0x0  }
0x80: {  	p1 =	sgt.s32 s5, $0x0;
	s21 =	sadd.s32 $0xFFFFFF88, s2;
	s2 =	ssub.s32 $0xF8, s2  }
0x81: {  	s1 =	simm.s32 @p1 $0x0;
	p0 =	sgt.s32 s21, $0x7F;
	p1 =	sgt.s32 s11, $0x80  }
0x82: {  	s22 =	smul.u32 s0, s1;
	s0 =	sand.u32 s23, s24;
	s3 =	simm.s32 @!p1 $0x80  }
0x83: {  	s2 =	simm.s32 @p0 $0x0;
	[dreg:$0x15] =	wrdreg s0;
	s0 =	sadd.s32 s0, s3  }
0x84: {  	[dreg:$0x6] =	wrdreg s11;
	s25 =	smul.u32 s2, s22;
	s26 =	sadd.s32 $0xFFFFFF80, s0  }
0x85: {  	s0 =	ssub.s32 $0x100, s0;
	s2 =	sadd.s32 $0x1, s16;
	p0 =	sgt.s32 s26, $0x7F  }
0x86: {  	s3 =	sadd.s32 $0x1, s14;
	s0 =	simm.s32 @p0 $0x0;
	p0 =	slt.s32 s2, $0x4  }
0x87: {  	[dreg:$0xb] =	wrdreg s16;
	s2 =	simm.s32 @!p0 $0x4;
	p0 =	slt.s32 s3, $0x40  }
0x88: {  	s1 =	sadd.s32 $0x80, s12;
	s2 =	ssub.s32 s2, s16;
	s3 =	simm.s32 @!p0 $0x40  }
0x89: {  	p1 =	slt.s32 s1, $0xF8;
	s3 =	ssub.s32 s3, s14;
	p0 =	slt.s32 s2, $0x1  }
0x8a: {  	[dreg:$0x9] =	wrdreg s14;
	s1 =	simm.s32 @!p1 $0xF8;
	p1 =	slt.s32 @!p0 s3, $0x1  }
0x8b: {  	[dreg:$0x7] =	wrdreg s12;
	s27 =	ssub.s32 s1, s12;
	p1 =	por p0, p1  }
0x8c: {  	[dreg:$0x8] =	wrdreg s13;
	p2 =	slt.s32 @!p1 s27, $0x1  }
0x8d: {  	[dreg:$0x13] =	wrdreg s22;
	s0 =	smul.u32 s0, s25;
	p1 =	por p1, p2  }
.Ltmp4:
0x8e: {  	s29 =	simm.s32 $0x1;
	[dreg:$0x17] =	wrdreg s2;
	(pc) =	sbr.rel @p1 .LBB1_18-.Ltmp4, $4  }
0x8f: {  	s28 =	sand.u32 $0x3FFFFFFF, s0;
	s0 =	sand.u32 $0x1, s13;
	[dreg:$0x18] =	wrdreg s3  }
0x90: {  	s31 =	smul.u32 $0x4080, s0;
	_ =	swait.ge [sflag:s29], s28  }
0x91: {  	s30 =	ssub.s32 $0x0, s28;
	[sflag:s29] =	ssyncset.done $0x0  }
0x92: {  	[dreg:$0x16] =	wrdreg s31;
	[sflag:s29] =	ssyncadd.s32 s30  }
0x93: {  	s2 =	rddreg [dreg:$0x6]  }
0x94: {  	s1 =	sadd.s32 $0x80, s2  }
0x95: {  	p1 =	slt.s32 s1, $0xD8  }
0x96: {  	s1 =	simm.s32 @!p1 $0xD8  }
.Ltmp5:
0x97: {  	s1 =	ssub.s32 s1, s2;
	(pc) =	sbr.rel .LBB1_6-.Ltmp5, $4  }
0x98: {  	s30 =	sshll.u32 @!p0 s0, $0xE;
	s0 =	rddreg [dreg:$0x16];
	s2 =	sadd.s32 $0xF, s1  }
0x99: {  	s31 =	sor.u32 @!p0 $0x8000, s0;
	s28 =	sand.u32 $0xFFFFFFF0, s2  }
0x9a: {  	s29 =	sand.u32 @!p0 $0xFFFFFF00, s2;
	s1 =	sshll.u32 s2, $0x3;
	p0 =	slt.s32 s2, $0x100  }
0x9b: {  	s0 =	sand.u32 $0xFFFFF800, s1;
	s1 =	simm.s32 $0x0;
	p1 =	sge.s32 s29, s28  }
.LBB1_17:
0x9c: {  	s1 =	sadd.s32 $0x1, s1;
	s2 =	rddreg [dreg:$0x17]  }
0x9d: {  	p2 =	sne.s32 s1, s2  }
.Ltmp6:
0x9e: {  	_ = 	snop;
	(pc) =	sbr.rel @!p2 .LBB1_18-.Ltmp6, $1  }
0x9f: {  	_ =	sdelay $0x3  }
.LBB1_6:
.Ltmp7:
0xa0: {  	(pc) =	sbr.rel .LBB1_7-.Ltmp7, $2  }
0xa1: {  	_ =	sdelay $0x2  }
0xa2: {  	s2 =	simm.s32 $0x0  }
.LBB1_16:
0xa3: {  	s2 =	sadd.s32 $0x1, s2;
	s3 =	rddreg [dreg:$0x18]  }
0xa4: {  	p2 =	sne.s32 s2, s3  }
.Ltmp8:
0xa5: {  	_ = 	snop;
	(pc) =	sbr.rel @!p2 .LBB1_17-.Ltmp8, $1  }
0xa6: {  	_ =	sdelay $0x3  }
.LBB1_7:
.Ltmp9:
0xa7: {  	s3 =	sadd.s32 s1, s2;
	(pc) =	sbr.rel .LBB1_8-.Ltmp9, $3  }
0xa8: {  	s4 =	sshll.u32 s3, $0x10;
	s3 =	smul.u32 $0x10200, s3;
	_ =	sdelay $0x1  }
0xa9: {  	s5 =	simm.s32 $0x400;
	s4 =	sshra.s32 s4, $0x2;
	s3 =	sshra.s32 s3, $0x2  }
0xaa: {  	s7 =	sadd.s32 s4, s30;
	s4 =	simm.s32 $0x0;
	s3 =	sadd.s32 s3, s31  }
.LBB1_15:
0xab: {  	s4 =	sadd.s32 $0x1, s4  }
0xac: {  	p2 =	sne.s32 s4, s27  }
.Ltmp10:
0xad: {  	_ = 	snop;
	(pc) =	sbr.rel @!p2 .LBB1_16-.Ltmp10, $2  }
0xae: {  	_ =	sdelay $0x2  }
0xaf: {  	s5 =	sadd.s32 $0x80, s5  }
.LBB1_8:
.Ltmp11:
0xb0: {  	(pc) =	sbr.rel @p0 .LBB1_12-.Ltmp11, $2  }
0xb1: {  	_ =	sdelay $0x2  }
0xb2: {  	s6 =	sshll.u32 s4, $0x7;
	s24 =	sand.u32 $0x7F, s4  }
0xb3: {  	s10 =	sshll.u32 s4, $0x3  }
0xb4: {  	s13 =	sand.u32 $0x380, s6;
	s8 =	sshrl.u32 s10, $0x7  }
0xb5: {  	s9 =	sadd.s32 $0x800, s10;
	s15 =	sadd.s32 $0x1000, s10;
	s18 =	sadd.s32 $0x1800, s10  }
0xb6: {  	s20 =	sadd.s32 $0x2800, s10;
	s26 =	sadd.s32 $0x3000, s10;
	s10 =	sadd.s32 $0x3800, s10  }
0xb7: {  	s11 =	sand.u32 $0x78, s8;
	s9 =	sshrl.u32 s9, $0x7;
	s17 =	sshrl.u32 s15, $0x7  }
0xb8: {  	s15 =	sshrl.u32 s18, $0x7;
	s25 =	sshrl.u32 s20, $0x7;
	s10 =	sshrl.u32 s10, $0x7  }
0xb9: {  	s16 =	sadd.s32 $0x10, s8;
	s12 =	smul.u32 $0x204, s11;
	s9 =	sand.u32 $0x78, s9  }
0xba: {  	s20 =	sadd.s32 $0x30, s8;
	s11 =	sxor.u32 $0x40, s11;
	s14 =	smul.u32 $0x204, s9  }
0xbb: {  	s19 =	sand.u32 $0x78, s15;
	s10 =	sand.u32 $0x78, s10;
	s11 =	smul.u32 $0x204, s11  }
0xbc: {  	s9 =	sadd.s32 s13, s7;
	s13 =	sand.u32 $0x78, s17;
	s10 =	smul.u32 $0x204, s10  }
0xbd: {  	s12 =	sshrl.u32 s12, $0x2;
	s13 =	smul.u32 $0x204, s13;
	v0 =	vmov s9;
	s9 =	sand.u32 $0x3C00, s5  }
0xbe: {  	s12 =	sadd.s32 s12, s3;
	s14 =	sshrl.u32 s14, $0x2;
	s11 =	sshrl.u32 s11, $0x2  }
0xbf: {  	s10 =	sshrl.u32 s10, $0x2;
	s14 =	sadd.s32 s14, s3;
	s21 =	sadd.s32 s24, s12  }
0xc0: {  	s13 =	sshrl.u32 s13, $0x2;
	s12 =	smul.u32 $0x204, s19;
	s11 =	sadd.s32 s11, s3  }
0xc1: {  	s19 =	sadd.s32 $0x20, s8;
	s10 =	sadd.s32 s10, s3;
	s13 =	sadd.s32 s13, s3  }
0xc2: {  	s23 =	sadd.s32 s24, s13;
	s12 =	sshrl.u32 s12, $0x2;
	s13 =	sand.u32 $0x78, s25  }
0xc3: {  	s22 =	sadd.s32 s24, s14;
	s12 =	sadd.s32 s12, s3;
	s13 =	smul.u32 $0x204, s13  }
0xc4: {  	s17 =	sadd.s32 s24, s11;
	s18 =	sadd.s32 s24, s12;
	s12 =	sshrl.u32 s26, $0x7  }
0xc5: {  	s25 =	sadd.s32 $0x50, s8;
	s14 =	sshrl.u32 s13, $0x2;
	s11 =	sand.u32 $0x78, s12  }
0xc6: {  	s12 =	sadd.s32 s14, s3;
	s15 =	smul.u32 $0x204, s11;
	s14 =	sand.u32 $0x78, s19  }
0xc7: {  	s19 =	sadd.s32 s24, s10;
	s11 =	sadd.s32 s24, s12;
	s12 =	sand.u32 $0x78, s16  }
0xc8: {  	s14 =	smul.u32 $0x204, s14;
	s16 =	sadd.s32 $0x60, s8;
	s8 =	sadd.s32 $0x70, s8  }
0xc9: {  	s13 =	sshrl.u32 s15, $0x2;
	s12 =	smul.u32 $0x204, s12;
	s15 =	sand.u32 $0x78, s25  }
0xca: {  	s26 =	sand.u32 $0x78, s16;
	s8 =	sand.u32 $0x78, s8;
	s25 =	smul.u32 $0x204, s15  }
0xcb: {  	s14 =	sshrl.u32 s14, $0x2;
	s16 =	smul.u32 $0x204, s26;
	s12 =	sshrl.u32 s12, $0x2  }
0xcc: {  	v1 =	vld.idx.msk [tilespmem:v0+s9+$0x0 ss:$0x1], $0xffff;
	s8 =	smul.u32 $0x204, s8;
	s14 =	sadd.s32 s14, s3;
	s10 =	sadd.s32 s12, s3  }
0xcd: {  	s12 =	sand.u32 $0x78, s20;
	s20 =	sadd.s32 s24, s14;
	s14 =	sshrl.u32 s25, $0x2  }
0xce: {  	s25 =	sshrl.u32 s16, $0x2;
	s8 =	sshrl.u32 s8, $0x2;
	s15 =	sadd.s32 s24, s10  }
0xcf: {  	s10 =	sadd.s32 s14, s3;
	s14 =	sadd.s32 s25, s3;
	s26 =	sadd.s32 s8, s3  }
0xd0: {  	s8 =	sadd.s32 s24, s14;
	s14 =	sadd.s32 s24, s26;
	s26 =	sadd.s32 $0xFFFFFC00, s5  }
0xd1: {  	[tilespmem:s21+$0x0 ss:$0x81] =	vst.msk $0xffff, v1;
	v1 =	vld.idx.msk [tilespmem:v0+s9+$0x20 ss:$0x1], $0xffff;
	s16 =	sadd.s32 s24, s10;
	s10 =	sand.u32 $0x3C00, s26  }
0xd2: {  	v2 =	vld.idx.msk [tilespmem:v0+s10+$0x70 ss:$0x1], $0xffff  }
0xd3: {  	v3 =	vld.idx.msk [tilespmem:v0+s10+$0x0 ss:$0x1], $0xffff  }
0xd4: {  	v4 =	vld.idx.msk [tilespmem:v0+s10+$0x10 ss:$0x1], $0xffff  }
0xd5: {  	v5 =	vld.idx.msk [tilespmem:v0+s10+$0x20 ss:$0x1], $0xffff  }
0xd6: {  	v6 =	vld.idx.msk [tilespmem:v0+s10+$0x30 ss:$0x1], $0xffff  }
0xd7: {  	v7 =	vld.idx.msk [tilespmem:v0+s10+$0x40 ss:$0x1], $0xffff;
	[tilespmem:s19+$0x0 ss:$0x81] =	vst.msk $0xffff, v2  }
0xd8: {  	v8 =	vld.idx.msk [tilespmem:v0+s10+$0x50 ss:$0x1], $0xffff;
	[tilespmem:s21+$0x0 ss:$0x81] =	vst.msk $0xffff, v3  }
0xd9: {  	p2 =	sgt.s32 s29, $0x100;
	s12 =	smul.u32 $0x204, s12;
	v9 =	vld.idx.msk [tilespmem:v0+s10+$0x60 ss:$0x1], $0xffff;
	[tilespmem:s22+$0x0 ss:$0x81] =	vst.msk $0xffff, v4  }
.Ltmp12:
0xda: {  	v4 =	vld.idx.msk [tilespmem:v0+s9+$0x10 ss:$0x1], $0xffff;
	[tilespmem:s23+$0x0 ss:$0x81] =	vst.msk $0xffff, v5;
	(pc) =	sbr.rel @!p2 .LBB1_11-.Ltmp12, $4  }
0xdb: {  	[tilespmem:s18+$0x0 ss:$0x81] =	vst.msk $0xffff, v6;
	v2 =	vld.idx.msk [tilespmem:v0+s9+$0x30 ss:$0x1], $0xffff  }
0xdc: {  	s13 =	sadd.s32 s13, s3;
	s12 =	sshrl.u32 s12, $0x2;
	[tilespmem:s17+$0x0 ss:$0x81] =	vst.msk $0xffff, v7;
	v3 =	vld.idx.msk [tilespmem:v0+s9+$0x40 ss:$0x1], $0xffff  }
0xdd: {  	s13 =	sadd.s32 s24, s13;
	s12 =	sadd.s32 s12, s3;
	[tilespmem:s11+$0x0 ss:$0x81] =	vst.msk $0xffff, v8;
	v5 =	vld.idx.msk [tilespmem:v0+s9+$0x50 ss:$0x1], $0xffff  }
0xde: {  	s25 =	sadd.s32 $0x800, s5;
	s10 =	simm.s32 $0x100;
	s12 =	sadd.s32 s24, s12;
	[tilespmem:s13+$0x0 ss:$0x81] =	vst.msk $0xffff, v9;
	v6 =	vld.idx.msk [tilespmem:v0+s9+$0x60 ss:$0x1], $0xffff  }
.LBB1_10:
0xdf: {  	s26 =	sadd.s32 $0xFFFFFC00, s25;
	s10 =	sadd.s32 $0x100, s10;
	[tilespmem:s15+$0x0 ss:$0x81] =	vst.msk $0xffff, v4;
	v4 =	vld.idx.msk [tilespmem:v0+s9+$0x70 ss:$0x1], $0xffff;
	s9 =	sand.u32 $0x3C00, s25  }
0xe0: {  	s26 =	sand.u32 $0x3C00, s26;
	v7 =	vld.idx.msk [tilespmem:v0+s9+$0x0 ss:$0x1], $0xffff;
	p2 =	slt.s32 s10, s29;
	[tilespmem:s20+$0x0 ss:$0x81] =	vst.msk $0xffff, v1  }
0xe1: {  	v1 =	vld.idx.msk [tilespmem:v0+s26+$0x70 ss:$0x1], $0xffff;
	[tilespmem:s12+$0x0 ss:$0x81] =	vst.msk $0xffff, v2  }
0xe2: {  	v2 =	vld.idx.msk [tilespmem:v0+s26+$0x0 ss:$0x1], $0xffff;
	[tilespmem:s17+$0x0 ss:$0x81] =	vst.msk $0xffff, v3  }
0xe3: {  	v3 =	vld.idx.msk [tilespmem:v0+s26+$0x10 ss:$0x1], $0xffff;
	[tilespmem:s16+$0x0 ss:$0x81] =	vst.msk $0xffff, v5  }
0xe4: {  	v5 =	vld.idx.msk [tilespmem:v0+s26+$0x20 ss:$0x1], $0xffff;
	[tilespmem:s8+$0x0 ss:$0x81] =	vst.msk $0xffff, v6  }
0xe5: {  	v6 =	vld.idx.msk [tilespmem:v0+s26+$0x30 ss:$0x1], $0xffff;
	[tilespmem:s14+$0x0 ss:$0x81] =	vst.msk $0xffff, v4  }
0xe6: {  	v8 =	vld.idx.msk [tilespmem:v0+s26+$0x40 ss:$0x1], $0xffff;
	[tilespmem:s21+$0x0 ss:$0x81] =	vst.msk $0xffff, v7  }
0xe7: {  	v7 =	vld.idx.msk [tilespmem:v0+s26+$0x50 ss:$0x1], $0xffff;
	[tilespmem:s19+$0x0 ss:$0x81] =	vst.msk $0xffff, v1  }
0xe8: {  	[tilespmem:s21+$0x0 ss:$0x81] =	vst.msk $0xffff, v2;
	v9 =	vld.idx.msk [tilespmem:v0+s26+$0x60 ss:$0x1], $0xffff  }
0xe9: {  	[tilespmem:s22+$0x0 ss:$0x81] =	vst.msk $0xffff, v3;
	v4 =	vld.idx.msk [tilespmem:v0+s9+$0x10 ss:$0x1], $0xffff  }
.Ltmp13:
0xea: {  	[tilespmem:s23+$0x0 ss:$0x81] =	vst.msk $0xffff, v5;
	v1 =	vld.idx.msk [tilespmem:v0+s9+$0x20 ss:$0x1], $0xffff;
	(pc) =	sbr.rel @p2 .LBB1_10-.Ltmp13, $4  }
0xeb: {  	[tilespmem:s18+$0x0 ss:$0x81] =	vst.msk $0xffff, v6;
	v2 =	vld.idx.msk [tilespmem:v0+s9+$0x30 ss:$0x1], $0xffff  }
0xec: {  	[tilespmem:s17+$0x0 ss:$0x81] =	vst.msk $0xffff, v8;
	v3 =	vld.idx.msk [tilespmem:v0+s9+$0x40 ss:$0x1], $0xffff  }
0xed: {  	[tilespmem:s11+$0x0 ss:$0x81] =	vst.msk $0xffff, v7;
	v5 =	vld.idx.msk [tilespmem:v0+s9+$0x50 ss:$0x1], $0xffff  }
0xee: {  	s25 =	sadd.s32 $0x800, s25;
	[tilespmem:s13+$0x0 ss:$0x81] =	vst.msk $0xffff, v9;
	v6 =	vld.idx.msk [tilespmem:v0+s9+$0x60 ss:$0x1], $0xffff  }
.LBB1_11:
0xef: {  	_ =	sdelay $0x2  }
0xf0: {  	[tilespmem:s15+$0x0 ss:$0x81] =	vst.msk $0xffff, v4  }
0xf1: {  	v0 =	vld.idx.msk [tilespmem:v0+s9+$0x70 ss:$0x1], $0xffff;
	[tilespmem:s20+$0x0 ss:$0x81] =	vst.msk $0xffff, v1  }
0xf2: {  	[tilespmem:s12+$0x0 ss:$0x81] =	vst.msk $0xffff, v2  }
0xf3: {  	[tilespmem:s17+$0x0 ss:$0x81] =	vst.msk $0xffff, v3  }
0xf4: {  	[tilespmem:s16+$0x0 ss:$0x81] =	vst.msk $0xffff, v5  }
0xf5: {  	[tilespmem:s8+$0x0 ss:$0x81] =	vst.msk $0xffff, v6  }
0xf6: {  	[tilespmem:s14+$0x0 ss:$0x81] =	vst.msk $0xffff, v0  }
.LBB1_12:
.Ltmp14:
0xf7: {  	(pc) =	sbr.rel @p1 .LBB1_15-.Ltmp14, $1  }
0xf8: {  	_ =	sdelay $0x3  }
0xf9: {  	s9 =	sand.u32 $0x380, s6;
	s8 =	sshrl.u32 s4, $0x4;
	s10 =	sadd.s32 s24, s3  }
0xfa: {  	s11 =	smov.u32 s0;
	s12 =	smov.u32 s29;
	s9 =	sadd.s32 s9, s7  }
.LBB1_14:
0xfb: {  	s13 =	sand.u32 $0x3C00, s11  }
0xfc: {  	s13 =	sadd.s32 s6, s13  }
0xfd: {  	s13 =	sand.u32 $0x3C00, s13  }
0xfe: {  	s14 =	sand.u32 $0x70, s12;
	s25 =	sadd.s32 s12, s8;
	s13 =	sadd.s32 s13, s9  }
0xff: {  	s12 =	sadd.s32 $0x10, s12;
	s26 =	sand.u32 $0x78, s25;
	s13 =	sadd.s32 s14, s13  }
0x100: {  	p2 =	slt.s32 s12, s28;
	v0 =	vld [tilespmem:s13+$0x0];
	s13 =	smul.u32 $0x204, s26  }
.Ltmp15:
0x101: {  	_ = 	snop;
	(pc) =	sbr.rel @p2 .LBB1_14-.Ltmp15, $4  }
0x102: {  	_ = 	snop  }
0x103: {  	s13 =	sshrl.u32 s13, $0x2  }
0x104: {  	s13 =	sadd.s32 s13, s10  }
0x105: {  	s11 =	sadd.s32 $0x80, s11;
	[tilespmem:s13+$0x0 ss:$0x81] =	vst.msk $0xffff, v0  }
.Ltmp16:
0x106: {  	_ = 	snop;
	(pc) =	sbr.rel .LBB1_15-.Ltmp16, $1  }
0x107: {  	_ =	sdelay $0x3  }
.LBB1_20:
0x108: {  	_ =	sfence.sel $0x180000  }
0x109: {  	s0 =	simm.s32 $0x1;
	[bflag:$0x0] =	sbarrier.arrive $0xFFFF  }
0x10a: {  	s30 =	simm.s32 $0x2;
	[sflag:s0] =	ssyncpa.u1 $0x1  }
0x10b: {  	[sflag:s30] =	ssyncpa.u1 $0x1  }
0x10c: {  	_ =	strace $0x9000004D  }
0x10d: {  	s31 =	stileid.u32;
	[bflag:$0x2] =	sbarrier.arrive $0xFFFF  }
0x10e: {  	p0 =	sne.s32 s31, $0x0;
	s0 =	rddreg [dreg:$0x2]  }
0x10f: {  	s0 =	sadd.s32 @!p0 $0x100000, s0  }
0x110: {  	[sflag:s0] =	ssyncadd.tile.s32 @!p0 $0x1;
	_ =	shalt  }
.Lfunc_end1:
_tile_overlayer_lowered:
.L_overlay_start_2:
0x111: {  	(tag) =	ssettag $0x2  }
0x112: {  	s0 =	rddreg [dreg:$0x0];
	s2 =	stileid.u32  }
0x113: {  	s1 =	rddreg [dreg:$0x1];
	p0 =	sne.s32 s2, $0x0  }
0x114: {  	s3 =	rddreg [dreg:$0x2];
	[bflag:$0x3] =	sbarrier.arrive $0xFFFF;
	s2 =	simm.s32 @!p0 $0x1C01  }
0x115: {  	[timem:s3], [sflag:s2] =	dma.local @!p0 [hbm:s0], s1  }
0x116: {  	s0 =	simm.s32 @!p0 $0x1  }
0x117: {  	_ =	swait.ge @!p0 [sflag:s0], s1  }
0x118: {  	s1 =	ssub.s32 @!p0 $0x0, s1;
	[sflag:s0] =	ssyncset.done @!p0 $0x0  }
0x119: {  	[sflag:s0] =	ssyncadd.s32 @!p0 s1  }
0x11a: {  	[bflag:$0x3] =	sbarrier.arrive $0xFFFF  }
0x11b: {  	_ =	shalt  }

</sc_bundles>
